<compile_context>
chip_gen: v7x
topology: tpu7x:2x2x1
jax: 0.10.2.dev20260603
libtpu: 0.0.44.dev20260713+nightly
codegen_flags: <defaults>
</compile_context>

<pallas_src>
import functools

import jax
import jax.numpy as jnp
import numpy as np
from jax import lax
from jax.experimental import pallas as pl
from jax.experimental.pallas import tpu as pltpu
from jax.experimental.pallas import tpu_sc as plsc

_NC = 2
_NS = 16
_B = 16
_I32MAX = np.iinfo(np.int32).max
_F32MIN = float(np.finfo(np.float32).min)


def _sc_segment_counts(idx3d, idx_left, idx_tail):
    n_groups = idx3d.shape[0]
    rows_per_g = idx3d.shape[1]
    n_left = idx_left.shape[0]
    tail_len = idx_tail.shape[0]
    nw = _NC * _NS

    mesh = plsc.VectorSubcoreMesh(
        core_axis_name="c", subcore_axis_name="s",
        num_cores=_NC, num_subcores=_NS)

    @functools.partial(
        pl.kernel,
        out_type=jax.ShapeDtypeStruct((_NC, _B), jnp.int32),
        mesh=mesh,
        scratch_types=[
            pltpu.VMEM((rows_per_g, 128), jnp.int32),
            pltpu.VMEM((tail_len,), jnp.int32),
            pltpu.VMEM((_B,), jnp.int32),
            pltpu.VMEM((_NS, _B), jnp.int32),
            pltpu.VMEM_SHARED((_NS, _B), jnp.int32),
        ],
    )
    def seg_counts(idx_hbm, lidx_hbm, tidx_hbm, out_hbm,
                   idx_v, tidx_v, loc_v, red_v, sh):
        cid = lax.axis_index("c")
        sid = lax.axis_index("s")
        wid = sid * _NC + cid

        lanes = lax.iota(jnp.int32, 16)
        zero = jnp.zeros((16,), jnp.int32)

        def count_vec(ids, accs):
            return tuple(accs[b] + (ids == b).astype(jnp.int32)
                         for b in range(_B))

        def assemble(accs):
            total = zero
            for b in range(_B):
                total = total + jnp.where(lanes == b, jnp.sum(accs[b]), 0)
            return total

        num_g = (n_groups - 1 - wid) // nw + 1

        def body(j, accs):
            g = wid + j * nw
            pltpu.sync_copy(idx_hbm.at[g], idx_v)
            for s in range(rows_per_g):
                for cc in range(128 // 16):
                    accs = count_vec(idx_v[s, pl.ds(cc * 16, 16)], accs)
            return accs

        accs = lax.fori_loop(0, num_g, body, (zero,) * _B)
        total = assemble(accs)

        @pl.when(wid == 30)
        def _leftover():
            a = (zero,) * _B
            for q in range(n_left):
                pltpu.sync_copy(lidx_hbm.at[q], idx_v.at[0])
                for cc in range(128 // 16):
                    a = count_vec(idx_v[0, pl.ds(cc * 16, 16)], a)
            loc_v[...] = assemble(a)

        @pl.when(wid == 31)
        def _tail():
            a = (zero,) * _B
            pltpu.sync_copy(tidx_hbm, tidx_v)
            for cc in range(tail_len // 16):
                a = count_vec(tidx_v[pl.ds(cc * 16, 16)], a)
            loc_v[...] = assemble(a)

        extra = jnp.where((wid == 30) | (wid == 31), loc_v[...], zero)
        loc_v[...] = total + extra

        pltpu.sync_copy(loc_v, sh.at[sid])
        plsc.subcore_barrier()

        @pl.when(sid == 0)
        def _combine():
            pltpu.sync_copy(sh, red_v)
            acc = red_v[0, :]
            for r in range(1, _NS):
                acc = acc + red_v[r, :]
            loc_v[...] = acc
            pltpu.sync_copy(loc_v, out_hbm.at[cid])

    return seg_counts(idx3d, idx_left, idx_tail)


def _tc_body(bk, seg_ref, ban_ref, embed_ref, ge_ref, w1_ref,
             b1_ref, w2_ref, b2_ref, raw_ref, val_ref, act_ref,
             t_s, m_s, i_s, c_s):
    i = pl.program_id(0)
    nb = pl.num_programs(0)

    @pl.when(i == 0)
    def _init():
        t_s[...] = ge_ref[...].astype(jnp.bfloat16).astype(jnp.float32)
        m_s[...] = jnp.full((1, _B), -jnp.inf, jnp.float32)
        i_s[...] = jnp.full((1, _B), _I32MAX, jnp.int32)
        c_s[...] = jnp.zeros((1, _B), jnp.float32)

    seg = seg_ref[0]
    lane = lax.broadcasted_iota(jnp.int32, (1, _B), 1)
    oh = (seg == lane).astype(jnp.float32)

    rep = jnp.dot(oh, t_s[...],
                  preferred_element_type=jnp.float32,
                  precision=lax.Precision.HIGHEST).astype(jnp.bfloat16)
    cat = jnp.concatenate([embed_ref[...].astype(jnp.bfloat16), rep],
                          axis=1)
    z = jnp.dot(cat, w1_ref[...],
                preferred_element_type=jnp.float32)
    h = jnp.maximum(z + b1_ref[...], jnp.float32(0.0))
    hb = h.astype(jnp.bfloat16)
    raw = (jnp.dot(hb, w2_ref[...], preferred_element_type=jnp.float32)
           + b2_ref[...])
    raw_ref[...] = raw

    ban = ban_ref[0]
    masked = jnp.where(ban != 0, jnp.float32(_F32MIN), raw)
    scores = jnp.where(oh > 0, masked, jnp.float32(-jnp.inf))
    smax = jnp.max(scores, axis=0, keepdims=True)
    gidx = lax.broadcasted_iota(jnp.int32, (bk, 1), 0) + i * bk
    cand = jnp.where((masked == smax) & (oh > 0), gidx, _I32MAX)
    sidx = jnp.min(cand, axis=0, keepdims=True)

    mprev = m_s[...]
    iprev = i_s[...]
    better = smax > mprev
    equal = smax == mprev
    i_s[...] = jnp.where(better, sidx,
                         jnp.where(equal, jnp.minimum(iprev, sidx), iprev))
    m_s[...] = jnp.maximum(mprev, smax)
    c_s[...] = c_s[...] + jnp.sum(oh, axis=0, keepdims=True)

    @pl.when(i == nb - 1)
    def _finish():
        val_ref[...] = m_s[...]
        r = lax.broadcasted_iota(jnp.int32, (_B, _B), 0)
        c = lax.broadcasted_iota(jnp.int32, (_B, _B), 1)
        lt = (r < c).astype(jnp.float32)
        starts = jnp.dot(c_s[...], lt,
                         preferred_element_type=jnp.float32,
                         precision=lax.Precision.HIGHEST)
        act_ref[...] = i_s[...] - starts.astype(jnp.int32)


def _tc_qhead_argmax(embed, segcol, bancol, ge, w1, b1r, w2, b2r, bk):
    n, d = embed.shape
    h = w1.shape[1]
    nb = n // bk
    grid = (nb,)
    return pl.pallas_call(
        functools.partial(_tc_body, bk),
        grid=grid,
        in_specs=[
            pl.BlockSpec((1, bk, 1), lambda i: (i, 0, 0)),
            pl.BlockSpec((1, bk, 1), lambda i: (i, 0, 0)),
            pl.BlockSpec((bk, d), lambda i: (i, 0)),
            pl.BlockSpec((_B, d), lambda i: (0, 0)),
            pl.BlockSpec((2 * d, h), lambda i: (0, 0)),
            pl.BlockSpec((1, h), lambda i: (0, 0)),
            pl.BlockSpec((h, 1), lambda i: (0, 0)),
            pl.BlockSpec((1, 1), lambda i: (0, 0)),
        ],
        out_specs=[
            pl.BlockSpec((bk, 1), lambda i: (i, 0)),
            pl.BlockSpec((1, _B), lambda i: (0, 0)),
            pl.BlockSpec((1, _B), lambda i: (0, 0)),
        ],
        out_shape=[
            jax.ShapeDtypeStruct((n, 1), jnp.float32),
            jax.ShapeDtypeStruct((1, _B), jnp.float32),
            jax.ShapeDtypeStruct((1, _B), jnp.int32),
        ],
        scratch_shapes=[
            pltpu.VMEM((_B, d), jnp.float32),
            pltpu.VMEM((1, _B), jnp.float32),
            pltpu.VMEM((1, _B), jnp.int32),
            pltpu.VMEM((1, _B), jnp.float32),
        ],
    )(segcol, bancol, embed, ge, w1, b1r, w2, b2r)


def kernel(embed, segment_ids, banned_mask, W1, b1, W2, b2):
    n, d = embed.shape
    hdim = W1.shape[1]
    bk = 5000
    seg32 = segment_ids.astype(jnp.int32)

    group = 512
    n_groups = n // group
    main = n_groups * group
    n_left = ((n // 128) * 128 - main) // 128
    idx3d = seg32[:main].reshape(n_groups, group // 128, 128)
    idx_left = seg32[main: main + n_left * 128].reshape(n_left, 128)
    idx_tail = seg32[main + n_left * 128:]

    ge = jax.ops.segment_sum(embed, seg32, num_segments=_B)

    segcol = seg32.reshape(n // bk, bk, 1)
    bancol = banned_mask.astype(jnp.int32).reshape(n // bk, bk, 1)
    w1b16 = W1.astype(jnp.bfloat16)
    w2b16 = W2.astype(jnp.bfloat16)
    b1r = b1.reshape(1, hdim)
    b2r = b2.reshape(1, 1)

    raw, values, actions = _tc_qhead_argmax(
        embed, segcol, bancol, ge, w1b16, b1r, w2b16, b2r, bk)
    return actions.reshape(_B), raw.reshape(n), values.reshape(_B)

# --- scband reference (transcript-rebuilt; emitter-appended) ---
"""Pipeline reference for scband-qnet-51135880626943 (READ-ONLY COPY).

The authoritative reference and input builder live on the scoring server;
editing this copy changes nothing except your own understanding.
"""

import jax, jax.numpy as jnp
import numpy as np

N = 100000
B = 16
D = 128
H = 256

def setup_inputs(seed: int = 0) -> dict:
    key = jax.random.key(seed)
    k1, k2, k3, k4, k5 = jax.random.split(key, 5)
    embed = jax.random.normal(k1, (N, D), dtype=jnp.float32)
    segment_ids = jnp.sort(jax.random.randint(k2, (N,), 0, B)).astype(jnp.int32)
    banned_mask = jax.random.bernoulli(k3, 0.05, (N,))
    W1 = jax.random.normal(k4, (2 * D, H), dtype=jnp.float32) * 0.05
    b1 = jnp.zeros((H,), dtype=jnp.float32)
    W2 = jax.random.normal(k5, (H, 1), dtype=jnp.float32) * 0.05
    b2 = jnp.zeros((1,), dtype=jnp.float32)
    return {"embed": embed, "segment_ids": segment_ids, "banned_mask": banned_mask,
            "W1": W1, "b1": b1, "W2": W2, "b2": b2}

def reference(embed, segment_ids, banned_mask, W1, b1, W2, b2):
    # graph-level embedding (sum pooling over each graph's nodes, as s2v does)
    graph_embed = jax.ops.segment_sum(embed, segment_ids, num_segments=B)
    # rep_global_embed: broadcast each graph embedding back to its nodes (gather)
    rep = jnp.take(graph_embed, segment_ids, axis=0)
    # Q head: cat(node_embed, graph_embed) -> relu(linear) -> linear_out
    embed_s_a = jnp.concatenate([embed, rep], axis=1)
    h = jax.nn.relu(embed_s_a @ W1 + b1)
    raw_pred = (h @ W2 + b2)[:, 0]
    # greedy_actions: index_fill banned actions with float32 min, then per-graph argmax
    neg = jnp.float32(np.finfo(np.float32).min)
    masked = jnp.where(banned_mask, neg, raw_pred)
    values = jax.ops.segment_max(masked, segment_ids, num_segments=B)
    pos = jnp.arange(N)
    cand = jnp.where(masked == jnp.take(values, segment_ids), pos, N)
    global_idx = jax.ops.segment_min(cand, segment_ids, num_segments=B)
    counts = jnp.bincount(segment_ids, length=B)
    starts = jnp.concatenate([jnp.zeros((1,), dtype=counts.dtype), jnp.cumsum(counts)[:-1]])
    actions = global_idx - starts  # local (per-graph) argmax index, as in jmax
    return (actions, raw_pred, values)

if __name__ == "__main__":
    import jax
    _d = setup_inputs()
    print(jax.jit(kernel)(*tuple(_d.values())))

</pallas_src>

<mosaic_0001>
module attributes {stable_mosaic.version = 14 : i64} {
  func.func @_tc_body(%arg0: i32, %arg1: memref<1x5000x1xi32, #tpu.memory_space<vmem>>, %arg2: memref<1x5000x1xi32, #tpu.memory_space<vmem>>, %arg3: memref<5000x128xf32, #tpu.memory_space<vmem>>, %arg4: memref<16x128xf32, #tpu.memory_space<vmem>>, %arg5: memref<256x256xbf16, #tpu.memory_space<vmem>>, %arg6: memref<1x256xf32, #tpu.memory_space<vmem>>, %arg7: memref<256x1xbf16, #tpu.memory_space<vmem>>, %arg8: memref<1x1xf32, #tpu.memory_space<vmem>>, %arg9: memref<5000x1xf32, #tpu.memory_space<vmem>>, %arg10: memref<1x16xf32, #tpu.memory_space<vmem>>, %arg11: memref<1x16xi32, #tpu.memory_space<vmem>>, %arg12: memref<16x128xf32, #tpu.memory_space<vmem>>, %arg13: memref<1x16xf32, #tpu.memory_space<vmem>>, %arg14: memref<1x16xi32, #tpu.memory_space<vmem>>, %arg15: memref<1x16xf32, #tpu.memory_space<vmem>>) attributes {dimension_semantics = [#tpu.dimension_semantics<arbitrary>], iteration_bounds = array<i64: 20>, scalar_prefetch = 0 : i64, scratch_operands = 4 : i64, tpu.core_type = #tpu.core_type<tc>, window_params = [{transform_indices = @transform_0, window_bounds = array<i64: 1, 5000, 1>}, {transform_indices = @transform_1, window_bounds = array<i64: 1, 5000, 1>}, {transform_indices = @transform_2, window_bounds = array<i64: 5000, 128>}, {pipeline_mode = #tpu.pipeline_mode<synchronous>, transform_indices = @transform_3, window_bounds = array<i64: 16, 128>}, {pipeline_mode = #tpu.pipeline_mode<synchronous>, transform_indices = @transform_4, window_bounds = array<i64: 256, 256>}, {pipeline_mode = #tpu.pipeline_mode<synchronous>, transform_indices = @transform_5, window_bounds = array<i64: 1, 256>}, {pipeline_mode = #tpu.pipeline_mode<synchronous>, transform_indices = @transform_6, window_bounds = array<i64: 256, 1>}, {pipeline_mode = #tpu.pipeline_mode<synchronous>, transform_indices = @transform_7, window_bounds = array<i64: 1, 1>}, {transform_indices = @transform_8, window_bounds = array<i64: 5000, 1>}, {pipeline_mode = #tpu.pipeline_mode<synchronous>, transform_indices = @transform_9, window_bounds = array<i64: 1, 16>}, {pipeline_mode = #tpu.pipeline_mode<synchronous>, transform_indices = @transform_10, window_bounds = array<i64: 1, 16>}]} {
    %eq3A = arith.constant 0 : i32
    %eq3A_0 = arith.cmpi eq, %arg0, %eq3A : i32
    %convert_element_type3A = arith.extui %eq3A_0 : i1 to i32
    %cond3A = arith.constant 0 : i32
    %cond3A_1 = arith.cmpi ne, %convert_element_type3A, %cond3A : i32
    scf.if %cond3A_1 {
      %get3A_108 = arith.constant 0 : index
      %get3A_109 = arith.constant 0 : index
      %get3A_110 = vector.load %arg4[%get3A_108, %get3A_109] : memref<16x128xf32, #tpu.memory_space<vmem>>, vector<16x128xf32>
      %convert_element_type3A_111 = arith.truncf %get3A_110 : vector<16x128xf32> to vector<16x128xbf16>
      %convert_element_type3A_112 = arith.extf %convert_element_type3A_111 : vector<16x128xbf16> to vector<16x128xf32>
      %swap3A_113 = arith.constant 0 : index
      %swap3A_114 = arith.constant 0 : index
      %swap3A_115 = vector.load %arg12[%swap3A_113, %swap3A_114] : memref<16x128xf32, #tpu.memory_space<vmem>>, vector<16x128xf32>
      tpu.vector_store %arg12[%swap3A_113, %swap3A_114], %convert_element_type3A_112 {strides = array<i32>} : memref<16x128xf32, #tpu.memory_space<vmem>>, vector<16x128xf32>,
      %broadcast_in_dim3A_116 = arith.constant 0xFF800000 : f32
      %broadcast_in_dim3A_117 = vector.broadcast %broadcast_in_dim3A_116 : f32 to vector<1x16xf32>
      %swap3A_118 = arith.constant 0 : index
      %swap3A_119 = arith.constant 0 : index
      %swap3A_120 = vector.load %arg13[%swap3A_118, %swap3A_119] : memref<1x16xf32, #tpu.memory_space<vmem>>, vector<1x16xf32>
      tpu.vector_store %arg13[%swap3A_118, %swap3A_119], %broadcast_in_dim3A_117 {strides = array<i32>} : memref<1x16xf32, #tpu.memory_space<vmem>>, vector<1x16xf32>,
      %broadcast_in_dim3A_121 = arith.constant 2147483647 : i32
      %broadcast_in_dim3A_122 = vector.broadcast %broadcast_in_dim3A_121 : i32 to vector<1x16xi32>
      %swap3A_123 = arith.constant 0 : index
      %swap3A_124 = arith.constant 0 : index
      %swap3A_125 = vector.load %arg14[%swap3A_123, %swap3A_124] : memref<1x16xi32, #tpu.memory_space<vmem>>, vector<1x16xi32>
      tpu.vector_store %arg14[%swap3A_123, %swap3A_124], %broadcast_in_dim3A_122 {strides = array<i32>} : memref<1x16xi32, #tpu.memory_space<vmem>>, vector<1x16xi32>,
      %broadcast_in_dim3A_126 = arith.constant 0.000000e+00 : f32
      %broadcast_in_dim3A_127 = vector.broadcast %broadcast_in_dim3A_126 : f32 to vector<1x16xf32>
      %swap3A_128 = arith.constant 0 : index
      %swap3A_129 = arith.constant 0 : index
      %swap3A_130 = vector.load %arg15[%swap3A_128, %swap3A_129] : memref<1x16xf32, #tpu.memory_space<vmem>>, vector<1x16xf32>
      tpu.vector_store %arg15[%swap3A_128, %swap3A_129], %broadcast_in_dim3A_127 {strides = array<i32>} : memref<1x16xf32, #tpu.memory_space<vmem>>, vector<1x16xf32>,
    } else {
    }
    %get3A = arith.constant 0 : index
    %get3A_2 = arith.constant 0 : index
    %get3A_3 = arith.constant 0 : index
    %get3A_4 = vector.load %arg1[%get3A, %get3A_2, %get3A_3] : memref<1x5000x1xi32, #tpu.memory_space<vmem>>, vector<1x5000x1xi32>
    %get3A_5 = vector.shape_cast %get3A_4 : vector<1x5000x1xi32> to vector<5000x1xi32>
    %iota3A = tpu.iota {dimensions = array<i32: 1>} : vector<1x16xi32>
    %eq3A_6 = vector.broadcast %get3A_5 : vector<5000x1xi32> to vector<5000x16xi32>
    %eq3A_7 = vector.broadcast %iota3A : vector<1x16xi32> to vector<5000x16xi32>
    %eq3A_8 = arith.cmpi eq, %eq3A_6, %eq3A_7 : vector<5000x16xi32>
    %convert_element_type3A_9 = arith.extui %eq3A_8 : vector<5000x16xi1> to vector<5000x16xi32>
    %convert_element_type3A_10 = arith.sitofp %convert_element_type3A_9 : vector<5000x16xi32> to vector<5000x16xf32>
    %get3A_11 = arith.constant 0 : index
    %get3A_12 = arith.constant 0 : index
    %get3A_13 = vector.load %arg12[%get3A_11, %get3A_12] : memref<16x128xf32, #tpu.memory_space<vmem>>, vector<16x128xf32>
    %dot_general3A = arith.constant dense<0.000000e+00> : vector<5000x128xf32>
    %dot_general3A_14 = tpu.matmul %convert_element_type3A_10, %get3A_13, %dot_general3A {dimension_numbers = #tpu.dot_dimension_numbers<[1], [0], [0], [1], [0, 0, 1, 1], [], []>, precision = #tpu.contract_precision<fp32>, transpose_lhs_hint = false} : vector<5000x16xf32>, vector<16x128xf32>, vector<5000x128xf32> -> vector<5000x128xf32>
    %convert_element_type3A_15 = arith.truncf %dot_general3A_14 : vector<5000x128xf32> to vector<5000x128xbf16>
    %get3A_16 = arith.constant 0 : index
    %get3A_17 = arith.constant 0 : index
    %get3A_18 = vector.load %arg3[%get3A_16, %get3A_17] : memref<5000x128xf32, #tpu.memory_space<vmem>>, vector<5000x128xf32>
    %convert_element_type3A_19 = arith.truncf %get3A_18 : vector<5000x128xf32> to vector<5000x128xbf16>
    %concatenate3A = tpu.concatenate %convert_element_type3A_19, %convert_element_type3A_15 in 1 : vector<5000x128xbf16>, vector<5000x128xbf16> -> vector<5000x256xbf16>
    %get3A_20 = arith.constant 0 : index
    %get3A_21 = arith.constant 0 : index
    %get3A_22 = vector.load %arg5[%get3A_20, %get3A_21] : memref<256x256xbf16, #tpu.memory_space<vmem>>, vector<256x256xbf16>
    %dot_general3A_23 = arith.constant dense<0.000000e+00> : vector<5000x256xf32>
    %dot_general3A_24 = tpu.matmul %concatenate3A, %get3A_22, %dot_general3A_23 {dimension_numbers = #tpu.dot_dimension_numbers<[1], [0], [0], [1], [0, 0, 1, 1], [], []>, transpose_lhs_hint = false} : vector<5000x256xbf16>, vector<256x256xbf16>, vector<5000x256xf32> -> vector<5000x256xf32>
    %get3A_25 = arith.constant 0 : index
    %get3A_26 = arith.constant 0 : index
    %get3A_27 = vector.load %arg6[%get3A_25, %get3A_26] : memref<1x256xf32, #tpu.memory_space<vmem>>, vector<1x256xf32>
    %add3A = vector.broadcast %get3A_27 : vector<1x256xf32> to vector<5000x256xf32>
    %add3A_28 = arith.addf %dot_general3A_24, %add3A : vector<5000x256xf32>
    %max3A = arith.constant 0.000000e+00 : f32
    %max3A_29 = vector.broadcast %max3A : f32 to vector<5000x256xf32>
    %max3A_30 = arith.maximumf %add3A_28, %max3A_29 : vector<5000x256xf32>
    %convert_element_type3A_31 = arith.truncf %max3A_30 : vector<5000x256xf32> to vector<5000x256xbf16>
    %get3A_32 = arith.constant 0 : index
    %get3A_33 = arith.constant 0 : index
    %get3A_34 = vector.load %arg7[%get3A_32, %get3A_33] : memref<256x1xbf16, #tpu.memory_space<vmem>>, vector<256x1xbf16>
    %dot_general3A_35 = arith.constant dense<0.000000e+00> : vector<5000x1xf32>
    %dot_general3A_36 = tpu.matmul %convert_element_type3A_31, %get3A_34, %dot_general3A_35 {dimension_numbers = #tpu.dot_dimension_numbers<[1], [0], [0], [1], [0, 0, 1, 1], [], []>, transpose_lhs_hint = false} : vector<5000x256xbf16>, vector<256x1xbf16>, vector<5000x1xf32> -> vector<5000x1xf32>
    %get3A_37 = arith.constant 0 : index
    %get3A_38 = arith.constant 0 : index
    %get3A_39 = vector.load %arg8[%get3A_37, %get3A_38] : memref<1x1xf32, #tpu.memory_space<vmem>>, vector<1x1xf32>
    %add3A_40 = vector.broadcast %get3A_39 : vector<1x1xf32> to vector<5000x1xf32>
    %add3A_41 = arith.addf %dot_general3A_36, %add3A_40 : vector<5000x1xf32>
    %swap3A = arith.constant 0 : index
    %swap3A_42 = arith.constant 0 : index
    %swap3A_43 = vector.load %arg9[%swap3A, %swap3A_42] : memref<5000x1xf32, #tpu.memory_space<vmem>>, vector<5000x1xf32>
    tpu.vector_store %arg9[%swap3A, %swap3A_42], %add3A_41 {strides = array<i32>} : memref<5000x1xf32, #tpu.memory_space<vmem>>, vector<5000x1xf32>,
    %get3A_44 = arith.constant 0 : index
    %get3A_45 = arith.constant 0 : index
    %get3A_46 = arith.constant 0 : index
    %get3A_47 = vector.load %arg2[%get3A_44, %get3A_45, %get3A_46] : memref<1x5000x1xi32, #tpu.memory_space<vmem>>, vector<1x5000x1xi32>
    %get3A_48 = vector.shape_cast %get3A_47 : vector<1x5000x1xi32> to vector<5000x1xi32>
    %ne3A = arith.constant 0 : i32
    %ne3A_49 = vector.broadcast %ne3A : i32 to vector<5000x1xi32>
    %ne3A_50 = arith.cmpi ne, %get3A_48, %ne3A_49 : vector<5000x1xi32>
    %jit3A = arith.constant -3.40282347E+38 : f32
    %broadcast_in_dim3A = vector.broadcast %jit3A : f32 to vector<5000x1xf32>
    %select_n3A = arith.select %ne3A_50, %broadcast_in_dim3A, %add3A_41 : vector<5000x1xi1>, vector<5000x1xf32>
    %gt3A = arith.constant 0.000000e+00 : f32
    %gt3A_51 = vector.broadcast %gt3A : f32 to vector<5000x16xf32>
    %gt3A_52 = arith.cmpf ogt, %convert_element_type3A_10, %gt3A_51 : vector<5000x16xf32>
    %jit3A_53 = arith.constant 0xFF800000 : f32
    %broadcast_in_dim3A_54 = vector.shape_cast %select_n3A : vector<5000x1xf32> to vector<5000x1xf32>
    %broadcast_in_dim3A_55 = vector.broadcast %broadcast_in_dim3A_54 : vector<5000x1xf32> to vector<5000x16xf32>
    %broadcast_in_dim3A_56 = vector.broadcast %jit3A_53 : f32 to vector<5000x16xf32>
    %select_n3A_57 = arith.select %gt3A_52, %broadcast_in_dim3A_55, %broadcast_in_dim3A_56 : vector<5000x16xi1>, vector<5000x16xf32>
    %reduce_max3A = arith.constant dense<0xFF800000> : vector<16xf32>
    %reduce_max3A_58 = vector.multi_reduction <maximumf>, %select_n3A_57, %reduce_max3A [0] : vector<5000x16xf32> to vector<16xf32>
    %broadcast_in_dim3A_59 = vector.shape_cast %reduce_max3A_58 : vector<16xf32> to vector<1x16xf32>
    %iota3A_60 = tpu.iota {dimensions = array<i32: 0>} : vector<5000x1xi32>
    %mul3A = arith.constant 5000 : i32
    %mul3A_61 = arith.muli %arg0, %mul3A : i32
    %add3A_62 = vector.broadcast %mul3A_61 : i32 to vector<5000x1xi32>
    %add3A_63 = arith.addi %iota3A_60, %add3A_62 : vector<5000x1xi32>
    %eq3A_64 = vector.broadcast %select_n3A : vector<5000x1xf32> to vector<5000x16xf32>
    %eq3A_65 = vector.broadcast %broadcast_in_dim3A_59 : vector<1x16xf32> to vector<5000x16xf32>
    %eq3A_66 = arith.cmpf oeq, %eq3A_64, %eq3A_65 : vector<5000x16xf32>
    %gt3A_67 = arith.constant 0.000000e+00 : f32
    %gt3A_68 = vector.broadcast %gt3A_67 : f32 to vector<5000x16xf32>
    %gt3A_69 = arith.cmpf ogt, %convert_element_type3A_10, %gt3A_68 : vector<5000x16xf32>
    %and3A = arith.andi %eq3A_66, %gt3A_69 : vector<5000x16xi1>
    %jit3A_70 = arith.constant 2147483647 : i32
    %broadcast_in_dim3A_71 = vector.shape_cast %add3A_63 : vector<5000x1xi32> to vector<5000x1xi32>
    %broadcast_in_dim3A_72 = vector.broadcast %broadcast_in_dim3A_71 : vector<5000x1xi32> to vector<5000x16xi32>
    %broadcast_in_dim3A_73 = vector.broadcast %jit3A_70 : i32 to vector<5000x16xi32>
    %select_n3A_74 = arith.select %and3A, %broadcast_in_dim3A_72, %broadcast_in_dim3A_73 : vector<5000x16xi1>, vector<5000x16xi32>
    %reduce_min3A = arith.constant dense<2147483647> : vector<16xi32>
    %reduce_min3A_75 = vector.multi_reduction <minsi>, %select_n3A_74, %reduce_min3A [0] : vector<5000x16xi32> to vector<16xi32>
    %broadcast_in_dim3A_76 = vector.shape_cast %reduce_min3A_75 : vector<16xi32> to vector<1x16xi32>
    %get3A_77 = arith.constant 0 : index
    %get3A_78 = arith.constant 0 : index
    %get3A_79 = vector.load %arg13[%get3A_77, %get3A_78] : memref<1x16xf32, #tpu.memory_space<vmem>>, vector<1x16xf32>
    %get3A_80 = arith.constant 0 : index
    %get3A_81 = arith.constant 0 : index
    %get3A_82 = vector.load %arg14[%get3A_80, %get3A_81] : memref<1x16xi32, #tpu.memory_space<vmem>>, vector<1x16xi32>
    %gt3A_83 = arith.cmpf ogt, %broadcast_in_dim3A_59, %get3A_79 : vector<1x16xf32>
    %eq3A_84 = arith.cmpf oeq, %broadcast_in_dim3A_59, %get3A_79 : vector<1x16xf32>
    %min3A = arith.minsi %get3A_82, %broadcast_in_dim3A_76 : vector<1x16xi32>
    %select_n3A_85 = arith.select %eq3A_84, %min3A, %get3A_82 : vector<1x16xi1>, vector<1x16xi32>
    %select_n3A_86 = arith.select %gt3A_83, %broadcast_in_dim3A_76, %select_n3A_85 : vector<1x16xi1>, vector<1x16xi32>
    %swap3A_87 = arith.constant 0 : index
    %swap3A_88 = arith.constant 0 : index
    %swap3A_89 = vector.load %arg14[%swap3A_87, %swap3A_88] : memref<1x16xi32, #tpu.memory_space<vmem>>, vector<1x16xi32>
    tpu.vector_store %arg14[%swap3A_87, %swap3A_88], %select_n3A_86 {strides = array<i32>} : memref<1x16xi32, #tpu.memory_space<vmem>>, vector<1x16xi32>,
    %max3A_90 = arith.maximumf %get3A_79, %broadcast_in_dim3A_59 : vector<1x16xf32>
    %swap3A_91 = arith.constant 0 : index
    %swap3A_92 = arith.constant 0 : index
    %swap3A_93 = vector.load %arg13[%swap3A_91, %swap3A_92] : memref<1x16xf32, #tpu.memory_space<vmem>>, vector<1x16xf32>
    tpu.vector_store %arg13[%swap3A_91, %swap3A_92], %max3A_90 {strides = array<i32>} : memref<1x16xf32, #tpu.memory_space<vmem>>, vector<1x16xf32>,
    %get3A_94 = arith.constant 0 : index
    %get3A_95 = arith.constant 0 : index
    %get3A_96 = vector.load %arg15[%get3A_94, %get3A_95] : memref<1x16xf32, #tpu.memory_space<vmem>>, vector<1x16xf32>
    %reduce_sum3A = arith.constant dense<0.000000e+00> : vector<16xf32>
    %reduce_sum3A_97 = vector.multi_reduction <add>, %convert_element_type3A_10, %reduce_sum3A [0] : vector<5000x16xf32> to vector<16xf32>
    %broadcast_in_dim3A_98 = vector.shape_cast %reduce_sum3A_97 : vector<16xf32> to vector<1x16xf32>
    %add3A_99 = arith.addf %get3A_96, %broadcast_in_dim3A_98 : vector<1x16xf32>
    %swap3A_100 = arith.constant 0 : index
    %swap3A_101 = arith.constant 0 : index
    %swap3A_102 = vector.load %arg15[%swap3A_100, %swap3A_101] : memref<1x16xf32, #tpu.memory_space<vmem>>, vector<1x16xf32>
    tpu.vector_store %arg15[%swap3A_100, %swap3A_101], %add3A_99 {strides = array<i32>} : memref<1x16xf32, #tpu.memory_space<vmem>>, vector<1x16xf32>,
    %eq3A_103 = arith.constant 19 : i32
    %eq3A_104 = arith.cmpi eq, %arg0, %eq3A_103 : i32
    %convert_element_type3A_105 = arith.extui %eq3A_104 : i1 to i32
    %cond3A_106 = arith.constant 0 : i32
    %cond3A_107 = arith.cmpi ne, %convert_element_type3A_105, %cond3A_106 : i32
    scf.if %cond3A_107 {
      %get3A_108 = arith.constant 0 : index
      %get3A_109 = arith.constant 0 : index
      %get3A_110 = vector.load %arg13[%get3A_108, %get3A_109] : memref<1x16xf32, #tpu.memory_space<vmem>>, vector<1x16xf32>
      %swap3A_111 = arith.constant 0 : index
      %swap3A_112 = arith.constant 0 : index
      %swap3A_113 = vector.load %arg10[%swap3A_111, %swap3A_112] : memref<1x16xf32, #tpu.memory_space<vmem>>, vector<1x16xf32>
      tpu.vector_store %arg10[%swap3A_111, %swap3A_112], %get3A_110 {strides = array<i32>} : memref<1x16xf32, #tpu.memory_space<vmem>>, vector<1x16xf32>,
      %iota3A_114 = tpu.iota {dimensions = array<i32: 0>} : vector<16x16xi32>
      %iota3A_115 = tpu.iota {dimensions = array<i32: 1>} : vector<16x16xi32>
      %lt3A = arith.cmpi slt, %iota3A_114, %iota3A_115 : vector<16x16xi32>
      %convert_element_type3A_116 = arith.extui %lt3A : vector<16x16xi1> to vector<16x16xi32>
      %convert_element_type3A_117 = arith.sitofp %convert_element_type3A_116 : vector<16x16xi32> to vector<16x16xf32>
      %get3A_118 = arith.constant 0 : index
      %get3A_119 = arith.constant 0 : index
      %get3A_120 = vector.load %arg15[%get3A_118, %get3A_119] : memref<1x16xf32, #tpu.memory_space<vmem>>, vector<1x16xf32>
      %dot_general3A_121 = arith.constant dense<0.000000e+00> : vector<1x16xf32>
      %dot_general3A_122 = tpu.matmul %get3A_120, %convert_element_type3A_117, %dot_general3A_121 {dimension_numbers = #tpu.dot_dimension_numbers<[1], [0], [0], [1], [0, 0, 1, 1], [], []>, precision = #tpu.contract_precision<fp32>, transpose_lhs_hint = false} : vector<1x16xf32>, vector<16x16xf32>, vector<1x16xf32> -> vector<1x16xf32>
      %get3A_123 = arith.constant 0 : index
      %get3A_124 = arith.constant 0 : index
      %get3A_125 = vector.load %arg14[%get3A_123, %get3A_124] : memref<1x16xi32, #tpu.memory_space<vmem>>, vector<1x16xi32>
      %convert_element_type3A_126 = arith.fptosi %dot_general3A_122 : vector<1x16xf32> to vector<1x16xi32>
      %sub3A = arith.subi %get3A_125, %convert_element_type3A_126 : vector<1x16xi32>
      %swap3A_127 = arith.constant 0 : index
      %swap3A_128 = arith.constant 0 : index
      %swap3A_129 = vector.load %arg11[%swap3A_127, %swap3A_128] : memref<1x16xi32, #tpu.memory_space<vmem>>, vector<1x16xi32>
      tpu.vector_store %arg11[%swap3A_127, %swap3A_128], %sub3A {strides = array<i32>} : memref<1x16xi32, #tpu.memory_space<vmem>>, vector<1x16xi32>,
    } else {
    }
    return
  }
  func.func @transform_0(%arg0: i32) -> (i32, i32, i32) {
    %c0_i32 = arith.constant 0 : i32
    %c0_i32_0 = arith.constant 0 : i32
    %c0_i32_1 = arith.constant 0 : i32
    return %arg0, %c0_i32, %c0_i32_0 : i32, i32, i32
  }
  func.func @transform_1(%arg0: i32) -> (i32, i32, i32) {
    %c0_i32 = arith.constant 0 : i32
    %c0_i32_0 = arith.constant 0 : i32
    %c0_i32_1 = arith.constant 0 : i32
    return %arg0, %c0_i32, %c0_i32_0 : i32, i32, i32
  }
  func.func @transform_2(%arg0: i32) -> (i32, i32) {
    %c0_i32 = arith.constant 0 : i32
    %c0_i32_0 = arith.constant 0 : i32
    return %arg0, %c0_i32 : i32, i32
  }
  func.func @transform_3(%arg0: i32) -> (i32, i32) {
    %c0_i32 = arith.constant 0 : i32
    %c0_i32_0 = arith.constant 0 : i32
    %c0_i32_1 = arith.constant 0 : i32
    return %c0_i32, %c0_i32_0 : i32, i32
  }
  func.func @transform_4(%arg0: i32) -> (i32, i32) {
    %c0_i32 = arith.constant 0 : i32
    %c0_i32_0 = arith.constant 0 : i32
    %c0_i32_1 = arith.constant 0 : i32
    return %c0_i32, %c0_i32_0 : i32, i32
  }
  func.func @transform_5(%arg0: i32) -> (i32, i32) {
    %c0_i32 = arith.constant 0 : i32
    %c0_i32_0 = arith.constant 0 : i32
    %c0_i32_1 = arith.constant 0 : i32
    return %c0_i32, %c0_i32_0 : i32, i32
  }
  func.func @transform_6(%arg0: i32) -> (i32, i32) {
    %c0_i32 = arith.constant 0 : i32
    %c0_i32_0 = arith.constant 0 : i32
    %c0_i32_1 = arith.constant 0 : i32
    return %c0_i32, %c0_i32_0 : i32, i32
  }
  func.func @transform_7(%arg0: i32) -> (i32, i32) {
    %c0_i32 = arith.constant 0 : i32
    %c0_i32_0 = arith.constant 0 : i32
    %c0_i32_1 = arith.constant 0 : i32
    return %c0_i32, %c0_i32_0 : i32, i32
  }
  func.func @transform_8(%arg0: i32) -> (i32, i32) {
    %c0_i32 = arith.constant 0 : i32
    %c0_i32_0 = arith.constant 0 : i32
    return %arg0, %c0_i32 : i32, i32
  }
  func.func @transform_9(%arg0: i32) -> (i32, i32) {
    %c0_i32 = arith.constant 0 : i32
    %c0_i32_0 = arith.constant 0 : i32
    %c0_i32_1 = arith.constant 0 : i32
    return %c0_i32, %c0_i32_0 : i32, i32
  }
  func.func @transform_10(%arg0: i32) -> (i32, i32) {
    %c0_i32 = arith.constant 0 : i32
    %c0_i32_0 = arith.constant 0 : i32
    %c0_i32_1 = arith.constant 0 : i32
    return %c0_i32, %c0_i32_0 : i32, i32
  }
}

</mosaic_0001>

<sc_bundles>
// kernel: scatter_offload_async_start
scs
__scs_entry_jumppad:
0x0: {  	(pc) =	sbr.rel $0x88, $3  }
0x1: {  	(tag) =	ssettag $0x0;
	lr =	simm.s32 $0x1  }
0x2: {  	[smem:$0x3F9A] =	sst lr;
	_ =	strace $0xD0000000  }
0x3: {  	_ = 	snop  }
0x4: {  	_ = 	snop  }
0x5: {  	_ = 	snop  }
0x6: {  	_ = 	snop  }
0x7: {  	_ = 	snop  }
__scs_overlays_trampoline_lowered:
0x8: {  	[smem:$0x3FA9] =	sst s0  }
0x9: {  	[smem:$0x3FAA] =	sst s1  }
0xa: {  	[smem:$0x3FAB] =	sst s2  }
0xb: {  	[smem:$0x3FAC] =	sst s3  }
0xc: {  	[smem:$0x3FAD] =	sst s4  }
0xd: {  	[smem:$0x3FAE] =	sst s5  }
0xe: {  	[smem:$0x3FAF] =	sst s6  }
0xf: {  	[smem:$0x3FB0] =	sst s7  }
0x10: {  	[smem:$0x3FB1] =	sst s8  }
0x11: {  	[smem:$0x3FB2] =	sst s9;
	s0 =	simm.s32 @!p0 $0x0  }
0x12: {  	s1 =	sld [smem:$0x3F98];
	s0 =	simm.s32 @p0 $0x1  }
0x13: {  	[smem:$0x3FB3] =	sst s0;
	s0 =	simm.s32 @!p1 $0x0  }
0x14: {  	s2 =	sld [smem:$0x3F97];
	s0 =	simm.s32 @p1 $0x1  }
0x15: {  	[smem:$0x3FB4] =	sst s0;
	s0 =	simm.s32 @!p2 $0x0  }
0x16: {  	s3 =	sld [smem:$0x3FDB];
	s0 =	simm.s32 @p2 $0x1  }
0x17: {  	s4 =	simm.s32 $0x1BF5;
	[smem:$0x3FB6] =	sst s0  }
0x18: {  	s0 =	sld [smem:$0x3F99];
	_ =	swait.ge [sflag:s4], $0x0  }
0x19: {  	s7 =	sld [smem:$0x3F9A]  }
0x1a: {  	s8 =	sadd.s32 $0xFFFFE003, lr  }
0x1b: {  	s9 =	sadd.s32 $0xFFFFFEF7, lr;
	s5 =	simm.s32 $0xFFFFFFFF;
	p2 =	slt.u32 s8, $0xFFFFF086  }
0x1c: {  	p1 =	slt.u32 s9, $0xF7A;
	s5 =	simm.s32 @!p2 $0x0  }
0x1d: {  	s5 =	simm.s32 @p1 $0x1;
	p0 =	seq.s32 s7, s2  }
0x1e: {  	s7 =	smul.u32 @!p0 $0xF7A, s2;
	p2 =	seq.s32 @!p0 s5, $0x0  }
0x1f: {  	s9 =	smul.u32 $0xF7A, s1;
	s8 =	simm.s32 @!p0 $0x1BF5;
	p2 =	por !p2, p0  }
0x20: {  	[sflag:s8] =	ssyncset.s32 @!p0 $0xFFFFF086;
	s6 =	sadd.s32 @!p0 s3, s7;
	s7 =	simm.s32 @!p0 $0x108  }
0x21: {  	s3 =	sadd.s32 s3, s9;
	s6 =	sadd.s32 @!p0 $0x88, s6;
	s7 =	simm.s32 @p2 $0x1082  }
0x22: {  	[simem:s7], [sflag:s8] =	dma.local @!p0 [hbm:s6], $0xF7A  }
0x23: {  	s9 =	sor.u32 $0xD0000000, s2;
	s6 =	simm.s32 $0x108;
	_ =	swait.ge @!p0 [sflag:s8], $0x0  }
0x24: {  	s3 =	sadd.s32 $0x88, s3;
	s6 =	simm.s32 @!p1 $0x1082;
	[sflag:s4] =	ssyncset.s32 $0xFFFFF086  }
0x25: {  	[simem:s6], [sflag:s4] =	dma.local [hbm:s3], $0xF7A  }
0x26: {  	[smem:$0x3F9A] =	sst s1;
	(tag) =	ssettag s2;
	_ =	strace s9  }
0x27: {  	s1 =	sld [smem:$0x3FAA]  }
0x28: {  	s2 =	sld [smem:$0x3FAB]  }
0x29: {  	s4 =	sld [smem:$0x3FAD]  }
0x2a: {  	p0 =	seq.s32 s5, $0x0;
	s5 =	sld [smem:$0x3FAE]  }
0x2b: {  	s6 =	sld [smem:$0x3FAF]  }
0x2c: {  	s7 =	sld [smem:$0x3FB0]  }
0x2d: {  	s3 =	simm.s32 $0x108;
	s8 =	sld [smem:$0x3FB1]  }
0x2e: {  	s3 =	simm.s32 @!p0 $0x1082;
	s9 =	sld [smem:$0x3FB2]  }
0x2f: {  	lr =	sadd.s32 s0, s3;
	s0 =	sld [smem:$0x3FA9]  }
0x30: {  	s3 =	sld [smem:$0x3FAC]  }
0x31: {  	[smem:$0x3FB5] =	sst s10  }
0x32: {  	s10 =	sld [smem:$0x3FB3];
	_ =	sdelay $0x3  }
0x33: {  	p0 =	seq.s32 s10, $0x1;
	s10 =	sld [smem:$0x3FB5];
	_ =	sdelay $0x3  }
0x34: {  	[smem:$0x3FB5] =	sst s10  }
0x35: {  	s10 =	sld [smem:$0x3FB4];
	_ =	sdelay $0x3  }
0x36: {  	p1 =	seq.s32 s10, $0x1;
	s10 =	sld [smem:$0x3FB5];
	_ =	sdelay $0x3  }
0x37: {  	[smem:$0x3FB5] =	sst s10  }
0x38: {  	s10 =	sld [smem:$0x3FB6]  }
0x39: {  	_ = 	snop;
	(pc) =	sbr.ind lr, $3  }
0x3a: {  	_ = 	snop  }
0x3b: {  	_ = 	snop  }
0x3c: {  	p2 =	seq.s32 s10, $0x1;
	s10 =	sld [smem:$0x3FB5]  }
0x3d: {  	_ =	shalt  }
0x3e: {  	_ =	shalt  }
0x3f: {  	_ =	shalt  }
0x40: {  	_ =	shalt  }
0x41: {  	_ =	shalt  }
0x42: {  	_ =	shalt  }
0x43: {  	_ =	shalt  }
0x44: {  	_ =	shalt  }
0x45: {  	_ =	shalt  }
0x46: {  	_ =	shalt  }
0x47: {  	_ =	shalt  }
0x48: {  	_ =	shalt  }
0x49: {  	_ =	shalt  }
0x4a: {  	_ =	shalt  }
0x4b: {  	_ =	shalt  }
0x4c: {  	_ =	shalt  }
0x4d: {  	_ =	shalt  }
0x4e: {  	_ =	shalt  }
0x4f: {  	_ =	shalt  }
0x50: {  	_ =	shalt  }
0x51: {  	_ =	shalt  }
0x52: {  	_ =	shalt  }
0x53: {  	_ =	shalt  }
0x54: {  	_ =	shalt  }
0x55: {  	_ =	shalt  }
0x56: {  	_ =	shalt  }
0x57: {  	_ =	shalt  }
0x58: {  	_ =	shalt  }
0x59: {  	_ =	shalt  }
0x5a: {  	_ =	shalt  }
0x5b: {  	_ =	shalt  }
0x5c: {  	_ =	shalt  }
0x5d: {  	_ =	shalt  }
0x5e: {  	_ =	shalt  }
0x5f: {  	_ =	shalt  }
0x60: {  	_ =	shalt  }
0x61: {  	_ =	shalt  }
0x62: {  	_ =	shalt  }
0x63: {  	_ =	shalt  }
0x64: {  	_ =	shalt  }
0x65: {  	_ =	shalt  }
0x66: {  	_ =	shalt  }
0x67: {  	_ =	shalt  }
0x68: {  	_ =	shalt  }
0x69: {  	_ =	shalt  }
0x6a: {  	_ =	shalt  }
0x6b: {  	_ =	shalt  }
0x6c: {  	_ =	shalt  }
0x6d: {  	_ =	shalt  }
0x6e: {  	_ =	shalt  }
0x6f: {  	_ =	shalt  }
0x70: {  	_ =	shalt  }
0x71: {  	_ =	shalt  }
0x72: {  	_ =	shalt  }
0x73: {  	_ =	shalt  }
0x74: {  	_ =	shalt  }
0x75: {  	_ =	shalt  }
0x76: {  	_ =	shalt  }
0x77: {  	_ =	shalt  }
0x78: {  	_ =	shalt  }
0x79: {  	_ =	shalt  }
0x7a: {  	_ =	shalt  }
0x7b: {  	_ =	shalt  }
0x7c: {  	_ =	shalt  }
0x7d: {  	_ =	shalt  }
0x7e: {  	_ =	shalt  }
0x7f: {  	_ =	shalt  }
0x80: {  	_ =	shalt  }
0x81: {  	_ =	shalt  }
0x82: {  	_ =	shalt  }
0x83: {  	_ =	shalt  }
0x84: {  	_ =	shalt  }
0x85: {  	_ =	shalt  }
0x86: {  	_ =	shalt  }
0x87: {  	_ =	shalt  }
.Lfunc_end0:
.L_simem_size_0:
called_computation_lowered:
.L_overlay_start_0:
0x88: {  	s2 =	sld [smem:$0x3FD9]  }
0x89: {  	s3 =	sld [smem:$0x3FFE];
	_ =	sdelay $0x1  }
0x8a: {  	s1 =	srdreg.scid  }
0x8b: {  	s0 =	sand.u32 $0x1, s1  }
0x8c: {  	s13 =	sshll.u32 s0, $0xA;
	s2 =	sadd.s32 s3, s2  }
0x8d: {  	s2 =	sadd.s32 s2, s13  }
0x8e: {  	[smem:$0x3FC1] =	sst s2  }
0x8f: {  	_ = 	snop  }
0x90: {  	s2 =	sld [smem:$0x3FD0];
	_ =	sdelay $0x2  }
0x91: {  	s4 =	simm.s32 $0xA;
	s5 =	simm.s32 $0x10;
	s14 =	sld [smem:$0x3FC9]  }
0x92: {  	[smem:s5], [sflag:s4] =	dma.local [hbm:s2], $0x1  }
0x93: {  	_ =	swait.eq [sflag:s4], $0x1  }
0x94: {  	[sflag:s4] =	ssyncset.done $0x0  }
0x95: {  	[sflag:s4] =	ssyncadd.s32 $0xFFFFFFFF  }
0x96: {  	s15 =	sld [smem:$0x11];
	(tm) =	ssettm $0x1  }
0x97: {  	s16 =	sld [smem:$0x3FFB];
	_ =	sdelay $0x3  }
0x98: {  	_ =	strace s16  }
0x99: {  	s4 =	sld [smem:$0x3FFC];
	_ =	sdelay $0x3  }
0x9a: {  	_ =	strace s4  }
0x9b: {  	s4 =	sld [smem:$0x3FFD];
	_ =	sdelay $0x3  }
0x9c: {  	_ =	strace s4  }
0x9d: {  	_ =	strace $0x8FFFFFFF  }
0x9e: {  	s17 =	sld [smem:$0x3FDB];
	_ =	sdelay $0x1  }
0x9f: {  	s18 =	simm.s32 $_scs_section_size  }
0xa0: {  	s6 =	simm.s32 $_size__tile_overlayer_lowered;
	s7 =	simm.s32 $_tile_overlayer_lowered  }
0xa1: {  	s21 =	simm.s32 $0x1BFF;
	s20 =	sshll.u32 s7, $0x1;
	s4 =	sadd.s32 s18, s17  }
0xa2: {  	s8 =	simm.s32 $0x0;
	s19 =	sshll.u32 s6, $0x1;
	s6 =	sadd.s32 s20, s4  }
0xa3: {  	[timem:s8], [sflag:s21] =	dma.local [hbm:s6], s19  }
0xa4: {  	_ =	swait.ge [sflag:s21], s19  }
0xa5: {  	s5 =	ssub.s32 $0x0, s19;
	[sflag:s21] =	ssyncset.done $0x0  }
0xa6: {  	[sflag:s21] =	ssyncadd.s32 s5;
	_ =	sdelay $0x1  }
0xa7: {  	s22 =	simm.s32 $0x1B8B  }
0xa8: {  	_ =	swait.ge [sflag:s22], $0x1  }
0xa9: {  	[sflag:s22] =	ssyncset.done $0x0  }
0xaa: {  	s23 =	sld [smem:$0x3FFE];
	[sflag:s22] =	ssyncadd.s32 $0xFFFFFFFF  }
0xab: {  	s25 =	simm.s32 $0x1B8E;
	s24 =	sld [smem:$0x0]  }
0xac: {  	s26 =	simm.s32 $execute0_lowered;
	[smem:$0x3FD2] =	sst s25  }
0xad: {  	s7 =	sshll.u32 s26, $0x1;
	_ =	strace $0x80000046;
	[dreg:$0x1] =	wrdreg $0xFFFFFFFF  }
0xae: {  	s28 =	simm.s32 $_size_execute0_lowered;
	s4 =	sadd.s32 s4, s7;
	[dreg:$0x0] =	wrdreg $0x0  }
0xaf: {  	s7 =	sshll.u32 s28, $0x1;
	[dreg:$0x2] =	wrdreg s4  }
0xb0: {  	[dreg:$0x3] =	wrdreg s7  }
0xb1: {  	[dreg:$0x4] =	wrdreg $0xC0  }
0xb2: {  	_ =	task [dreg:s8], $0x5FFFF  }
0xb3: {  	[dreg:$0x1] =	wrdreg $0xFFFFFFFF  }
0xb4: {  	[dreg:$0x0] =	wrdreg $0x60  }
0xb5: {  	[dreg:$0x2] =	wrdreg s23  }
0xb6: {  	[dreg:$0x3] =	wrdreg s15  }
0xb7: {  	[dreg:$0x4] =	wrdreg s14  }
0xb8: {  	[dreg:$0x5] =	wrdreg s1  }
0xb9: {  	[dreg:$0x6] =	wrdreg s24  }
0xba: {  	[dreg:$0x7] =	wrdreg $0x9  }
0xbb: {  	_ =	task.clear_ibuf [dreg:s8], $0x8FFFF;
	_ =	strace $0x90000046  }
0xbc: {  	s29 =	simm.s32 $0x9;
	_ =	strace $0x80000048  }
0xbd: {  	_ =	swait.ge [sflag:s29], $0x1  }
0xbe: {  	[sflag:s29] =	ssyncadd.s32 $0xFFFFFFFF  }
0xbf: {  	_ =	strace $0x90000048  }
0xc0: {  	_ =	sfence  }
0xc1: {  	s30 =	sld [smem:$0x0];
	_ =	sdelay $0x2  }
0xc2: {  	s31 =	sshll.u32 s1, $0xD;
	s1 =	sshrl.u32 s1, $0x2  }
0xc3: {  	s3 =	sand.u32 $0x4000, s31;
	s1 =	sadd.s32 s1, s30  }
0xc4: {  	s0 =	sor.u32 s3, s0;
	s1 =	sshll.u32 s1, $0x11  }
0xc5: {  	s0 =	sor.u32 s1, s0  }
0xc6: {  	s0 =	sadd.s32 $0x8F2B, s0  }
0xc7: {  	[sflag:s0] =	ssyncadd.remote.s32 $0x1  }
0xc8: {  	_ =	sfence.sel $0xFFFF  }
0xc9: {  	[dreg:$0x0] =	wrdreg $0xFFFFFFFF;
	(pc) =	sbr.abs _section_cstart, $3  }
0xca: {  	[dreg:$0x1] =	wrdreg $0xFFFFFFFF  }
0xcb: {  	_ =	task.clear_ibuf [dreg:s8], $0x2FFFF;
	_ =	strace $0x9FFFFFFF  }
0xcc: {  	(tm) =	ssettm $0x7FFFFFFF  }
0xcd: {  	_ =	shalt  }
tec
execute0_lowered:
.L_overlay_start_1:
0x0: {  	(tag) =	ssettag $0x1  }
0x1: {  	s14 =	rddreg [dreg:$0x0]  }
0x2: {  	s15 =	rddreg [dreg:$0x1]  }
0x3: {  	s9 =	rddreg [dreg:$0x2]  }
0x4: {  	s2 =	rddreg [dreg:$0x3];
	_ =	strace $0x80000047;
	s0 =	simm.s32 $0x1  }
0x5: {  	v0 =	vimm.s32 $0x0;
	[sflag:s0] =	ssyncpa.u1 $0x0;
	s0 =	simm.s32 $0x108  }
0x6: {  	[tilespmem:s0+$0x70] =	vst v0  }
0x7: {  	[tilespmem:s0+$0x60] =	vst v0  }
0x8: {  	[tilespmem:s0+$0x50] =	vst v0  }
0x9: {  	[tilespmem:s0+$0x40] =	vst v0  }
0xa: {  	[tilespmem:s0+$0x30] =	vst v0  }
0xb: {  	[tilespmem:s0+$0x20] =	vst v0  }
0xc: {  	s3 =	simm.s32 $0x40;
	s1 =	sadd.s32 $0x3200, s14;
	s5 =	sand.u32 $0x1, s2;
	[tilespmem:s0+$0x10] =	vst v0  }
.LBB2_1:
0xd: {  	s3 =	sadd.s32 $0x40, s3;
	[tilespmem:s0+$0x0] =	vst v0;
	s0 =	sadd.s32 $0x80, s0  }
0xe: {  	p0 =	slt.u32 s3, $0x3C40;
	[tilespmem:s0+$0x70] =	vst v0  }
0xf: {  	[tilespmem:s0+$0x60] =	vst v0  }
.Ltmp0:
0x10: {  	[tilespmem:s0+$0x50] =	vst v0;
	(pc) =	sbr.rel @p0 .LBB2_1-.Ltmp0, $4  }
0x11: {  	[tilespmem:s0+$0x40] =	vst v0  }
0x12: {  	[tilespmem:s0+$0x30] =	vst v0  }
0x13: {  	[tilespmem:s0+$0x20] =	vst v0  }
0x14: {  	[tilespmem:s0+$0x10] =	vst v0  }
0x15: {  	s6 =	stileid.u32  }
0x16: {  	s2 =	simm.s32 $0x1;
	p0 =	sne.s32 s6, $0x0;
	s3 =	smul.u32 $0xD, s6  }
0x17: {  	s2 =	simm.s32 @!p0 $0x0  }
0x18: {  	s2 =	sadd.s32 s2, s3  }
0x19: {  	p1 =	seq.s32 s6, $0x0;
	s7 =	smul.u32 $0xF0, s2;
	s2 =	simm.s32 $0xD20  }
0x1a: {  	s2 =	simm.s32 @!p1 $0xC30  }
0x1b: {  	s2 =	sadd.s32 s2, s7  }
0x1c: {  	s8 =	smin.u32 s2, $0xC350  }
0x1d: {  	s2 =	ssub.s32 s8, s7  }
0x1e: {  	p1 =	sgt.s32 s2, $0x0  }
0x1f: {  	s29 =	simm.s32 $0x2;
	s10 =	simm.s32 $0x9;
	s2 =	simm.s32 @!p1 $0x0  }
0x20: {  	s4 =	simm.s32 $0xA;
	s11 =	simm.s32 $0xB;
	s28 =	smul.u32 $0x8889, s2  }
0x21: {  	[dreg:$0x6] =	wrdreg s5;
	s31 =	smul.u32 $0x186A, s5;
	s12 =	simm.s32 $0x1  }
0x22: {  	s22 =	simm.s32 $0x0;
	s18 =	simm.s32 $0xC;
	s30 =	sshrl.u32 s28, $0x17  }
0x23: {  	s20 =	simm.s32 $0x0;
	s21 =	simm.s32 $0x0;
	s3 =	smul.u32 $0xF0, s30  }
.Ltmp1:
0x24: {  	[tilespmem:s0+$0x0] =	vst v0;
	v0 =	vimm.s32 $0xFFFFFFFF;
	[sflag:s29] =	ssyncpa.u1 $0x0;
	s16 =	sshll.u32 s6, $0x8;
	(pc) =	sbr.rel .LBB2_3-.Ltmp1, $4  }
0x25: {  	[tilespmem:$0xF208] =	vst v0;
	[sflag:s10] =	ssyncpa.u1 $0x0;
	p1 =	sne.s32 s2, s3;
	s2 =	simm.s32 $0x1  }
0x26: {  	s14 =	sadd.s32 s31, s14;
	[sflag:s4] =	ssyncpa.u1 $0x0;
	s2 =	simm.s32 @!p1 $0x0  }
0x27: {  	s15 =	sadd.s32 s31, s15;
	[sflag:s11] =	ssyncpa.u1 $0x0;
	s13 =	sadd.s32 s30, s2  }
0x28: {  	v0 =	vlaneseq.u32;
	s19 =	smov.u32 s7;
	p1 =	por $0x0, $0x0;
	s17 =	sadd.s32 $0x1, s13  }
.LBB2_18:
0x29: {  	s0 =	sshrl.u32 s31, $0x2  }
.LBB2_20:
0x2a: {  	_ =	swait.ge [sflag:s18], s0  }
0x2b: {  	s31 =	ssub.s32 $0x0, s0;
	v1 =	vmov s24;
	vm0 =	veq.s32 v0, $0x0;
	[sflag:s18] =	ssyncset.done $0x0  }
0x2c: {  	vm15 =	veq.s32 v0, $0x2;
	v1 =	vsel vm0, s30, v1;
	[sflag:s18] =	ssyncadd.s32 s31  }
0x2d: {  	v1 =	vsel vm15, s22, v1;
	[sflag:s18] =	ssyncpa.u1 $0x1  }
0x2e: {  	[tilespmem:$0xF208] =	vst v1  }
.LBB2_21:
0x2f: {  	s0 =	sadd.s32 $0xF0, s19  }
0x30: {  	s2 =	smov.u32 s7;
	p2 =	slt.s32 s0, s8  }
0x31: {  	s2 =	smov.u32 @p2 s0;
	p2 =	sne.s32 s21, s17  }
.Ltmp2:
0x32: {  	_ = 	snop;
	(pc) =	sbr.rel @!p2 .LBB2_22-.Ltmp2, $3  }
0x33: {  	_ =	sdelay $0x1  }
0x34: {  	s22 =	smov.u32 s20;
	s31 =	sadd.s32 $0x1, s21;
	s20 =	smov.u32 s19  }
0x35: {  	p1 =	por !p1, !p1;
	s21 =	smov.u32 s31;
	s19 =	smov.u32 s2  }
.LBB2_3:
0x36: {  	p2 =	sge.u32 s21, s13  }
0x37: {  	s0 =	smulhi.u32 @!p2 $0xAAAAAAAB, s21  }
0x38: {  	s2 =	smov.u32 s19;
	p3 =	sgt.s32 @!p2 s19, $0xC260  }
0x39: {  	s3 =	sshra.s32 @!p2 s19, $0x1F;
	p3 =	por !p3, p2;
	s0 =	sshrl.u32 @!p2 s0, $0x1  }
0x3a: {  	s3 =	sand.u32 @!p2 s3, s19;
	s2 =	simm.s32 @p3 $0xC260;
	s0 =	smul.u32 @!p2 $0x3, s0  }
0x3b: {  	s2 =	ssub.s32 @!p2 s2, s3  }
0x3c: {  	s2 =	sadd.s32 @!p2 $0xFFFF3DA0, s2;
	s0 =	ssub.s32 @!p2 s21, s0  }
0x3d: {  	s3 =	sshll.u32 @!p2 s2, $0x2;
	p3 =	sgt.s32 @!p2 s2, $0xEF;
	s0 =	smul.u32 @!p2 $0x3C0, s0  }
0x3e: {  	s4 =	sand.u32 @!p2 $0x7, s19;
	s2 =	ssub.s32 @!p2 $0x3C0, s3;
	p3 =	por !p3, p2  }
0x3f: {  	s3 =	sshrl.u32 @!p2 s19, $0x3;
	s2 =	sshrl.u32 @!p2 s2, $0x2;
	s0 =	sshrl.u32 @!p2 s0, $0x2  }
0x40: {  	s3 =	sadd.s32 @!p2 s3, s14;
	s2 =	simm.s32 @!p3 $0x0;
	s0 =	sadd.s32 @!p2 $0x10248, s0  }
0x41: {  	[tilespmem:s0], [sflag:$0xA] =	stream.linear.gather @!p2 [hbm4b:s3+s4], s2, $0x38;
	[tilespmem:$0x1F6F8] =	vst v63  }
0x42: {  	s0 =	sadd.s32 $0xFFFFFFFF, s21  }
0x43: {  	p2 =	sge.u32 s0, s13  }
0x44: {  	p3 =	sgt.s32 @!p2 s20, $0xC260  }
0x45: {  	s2 =	smov.u32 s20;
	s3 =	sshra.s32 @!p2 s20, $0x1F;
	p3 =	por !p3, p2  }
0x46: {  	s3 =	sand.u32 @!p2 s3, s20;
	s2 =	simm.s32 @p3 $0xC260  }
0x47: {  	s2 =	ssub.s32 @!p2 s2, s3  }
0x48: {  	s2 =	sadd.s32 @!p2 $0xFFFF3DA0, s2  }
0x49: {  	s4 =	sand.u32 @!p2 $0x1, s0;
	s3 =	sshll.u32 @!p2 s2, $0x2  }
0x4a: {  	p3 =	sgt.s32 @!p2 s2, $0xEF;
	s2 =	ssub.s32 @!p2 $0x3C0, s3;
	s3 =	smulhi.u32 @!p2 $0xAAAAAAAB, s0  }
0x4b: {  	s23 =	smul.u32 @!p2 $0x3C0, s4;
	p3 =	por !p3, p2;
	s2 =	sshrl.u32 @!p2 s2, $0x2  }
0x4c: {  	s5 =	simm.s32 @!p2 $0xA;
	s2 =	simm.s32 @!p3 $0x0;
	s3 =	sshrl.u32 @!p2 s3, $0x1  }
0x4d: {  	s23 =	sshrl.u32 @!p2 s23, $0x2;
	_ =	swait.ge @!p2 [sflag:s5], s2;
	s3 =	smul.u32 @!p2 $0x3, s3  }
0x4e: {  	s23 =	sadd.s32 @!p2 $0x10518, s23;
	s24 =	ssub.s32 @!p2 $0x0, s2;
	[sflag:s5] =	ssyncset.done @!p2 $0x0  }
0x4f: {  	[sflag:s5] =	ssyncadd.s32 @!p2 s24;
	s5 =	sshrl.u32 @!p2 s20, $0x3;
	s0 =	ssub.s32 @!p2 s0, s3  }
0x50: {  	s24 =	sand.u32 @!p2 $0x7, s20;
	s5 =	sadd.s32 @!p2 s5, s15;
	s0 =	smul.u32 @!p2 $0x3C0, s0  }
0x51: {  	[tilespmem:s23], [sflag:$0xB] =	stream.linear.gather @!p2 [hbm4b:s5+s24], s2, $0x38;
	[tilespmem:$0x1F6F8] =	vst v63  }
0x52: {  	s3 =	ssub.s32 @!p2 $0xC350, s20;
	s2 =	smul.u32 @!p2 $0x1E000, s4  }
0x53: {  	p3 =	slt.s32 @!p2 s3, $0xF0  }
0x54: {  	p3 =	por !p3, p2;
	s0 =	sshrl.u32 @!p2 s0, $0x2;
	s2 =	sshrl.u32 @!p2 s2, $0x2  }
0x55: {  	s3 =	simm.s32 @p3 $0xF0;
	s0 =	sadd.s32 @!p2 $0x10248, s0;
	s2 =	sor.u32 @!p2 $0x106F8, s2  }
0x56: {  	[tilespmem:s2], [sflag:$0x9] =	stream.indirect.gather @!p2 [hbm4b:s9+s3], $0x80, s0, s3, $0xb8;
	[tilespmem:$0x1F6F8] =	vst v63  }
0x57: {  	p2 =	slt.u32 s21, $0x2  }
.Ltmp3:
0x58: {  	_ = 	snop;
	(pc) =	sbr.rel @p2 .LBB2_21-.Ltmp3, $1  }
0x59: {  	_ =	sdelay $0x3  }
0x5a: {  	p2 =	sgt.s32 s22, $0xC260  }
0x5b: {  	s0 =	smov.u32 s22;
	s2 =	sshra.s32 s22, $0x1F;
	s3 =	ssub.s32 $0xC350, s22  }
0x5c: {  	s0 =	simm.s32 @!p2 $0xC260;
	s2 =	sand.u32 s2, s22;
	p2 =	slt.s32 s3, $0xF0  }
0x5d: {  	s0 =	ssub.s32 s0, s2;
	s3 =	simm.s32 @!p2 $0xF0  }
0x5e: {  	s0 =	sadd.s32 $0xFFFF3DA0, s0;
	s25 =	sshll.u32 s3, $0x7  }
0x5f: {  	s26 =	sshll.u32 s0, $0x2;
	s2 =	sand.u32 $0x3FFFFF80, s25  }
0x60: {  	p2 =	sgt.s32 s0, $0xEF;
	s29 =	ssub.s32 $0x3C0, s26;
	_ =	swait.ge [sflag:s10], s2  }
0x61: {  	s2 =	ssub.s32 $0x0, s2;
	[sflag:s10] =	ssyncset.done $0x0;
	s0 =	sshrl.u32 s29, $0x2  }
0x62: {  	[sflag:s10] =	ssyncadd.s32 s2;
	s0 =	simm.s32 @p2 $0x0  }
0x63: {  	_ =	swait.ge [sflag:s11], s0  }
0x64: {  	s0 =	ssub.s32 $0x0, s0;
	[sflag:s11] =	ssyncset.done $0x0  }
0x65: {  	[sflag:s11] =	ssyncadd.s32 s0  }
0x66: {  	v1 =	vld [tilespmem:$0xF208];
	_ =	sdelay $0x4  }
0x67: {  	(v2sf) =	vpush v1, $0x0  }
0x68: {  	(v2sf) =	vpush v1, $0x1  }
0x69: {  	(v2sf) =	vpush v1, $0x2;
	_ =	sdelay $0x3  }
0x6a: {  	s0 =	sadd.s32 $0xF0, s22  }
0x6b: {  	s2 =	ssub.s32 $0x186A0, s22;
	p2 =	slt.s32 s8, s0  }
0x6c: {  	s0 =	smov.u32 @p2 s8;
	p2 =	sgt.s32 s2, $0x0  }
0x6d: {  	s26 =	ssub.s32 s0, s22;
	s2 =	simm.s32 @!p2 $0x0  }
0x6e: {  	p2 =	slt.s32 s2, s26  }
0x6f: {  	s26 =	smov.u32 @p2 s2  }
0x70: {  	s25 =	simm.s32 $0x1;
	p2 =	slt.s32 s26, $0x1  }
.Ltmp4:
0x71: {  	s25 =	simm.s32 @!p1 $0x0;
	(pc) =	sbr.rel @p2 .LBB2_8-.Ltmp4, $4  }
0x72: {  	s31 =	smul.u32 $0x3C0, s25  }
0x73: {  	s28 =	spop (v2sf)  }
0x74: {  	s0 =	sshrl.u32 s31, $0x2;
	s30 =	spop (v2sf)  }
0x75: {  	s23 =	sadd.s32 $0x10518, s0;
	s22 =	spop (v2sf)  }
0x76: {  	s0 =	smin.u32 s26, $0x10  }
0x77: {  	v1 =	vmov s0  }
0x78: {  	p3 =	sgt.s32 s26, $0x10;
	vm1 =	vgt.u32 v1, v0  }
.Ltmp5:
0x79: {  	_ = 	snop;
	(pc) =	sbr.rel @!p3 .LBB2_7-.Ltmp5, $2  }
0x7a: {  	_ =	sdelay $0x2  }
0x7b: {  	s4 =	simm.s32 $0x10;
	s24 =	sadd.s32 $0xFFFFFFF0, s26;
	s0 =	smov.u32 s23;
	vm0 =	vmmov vm1  }
.LBB2_6:
0x7c: {  	s2 =	smin.u32 s24, $0x10;
	s4 =	sadd.s32 $0x10, s4;
	v1 =	vld.msk [tilespmem:s0+$0x0 ss:$0x1], vm1  }
0x7d: {  	v2 =	vmov s2;
	p3 =	slt.s32 s4, s26  }
0x7e: {  	vm1 =	vgt.u32 v2, v0  }
.Ltmp6:
0x7f: {  	(pc) =	sbr.rel @p3 .LBB2_6-.Ltmp6, $3  }
0x80: {  	_ =	sdelay $0x1  }
0x81: {  	v1 =	vshll.u32 v1, $0x4  }
0x82: {  	s24 =	sadd.s32 $0xFFFFFFF0, s24;
	[tilespmem:s0+$0x0] =	vst.msk vm0, v1;
	s0 =	sadd.s32 $0x10, s0;
	vm0 =	vmmov vm1  }
.LBB2_7:
0x83: {  	_ =	sdelay $0x4  }
0x84: {  	v1 =	vld.msk [tilespmem:s0+$0x0 ss:$0x1], vm1;
	_ =	sdelay $0x4  }
0x85: {  	v1 =	vshll.u32 v1, $0x4  }
0x86: {  	[tilespmem:s0+$0x0] =	vst.msk vm0, v1  }
.LBB2_8:
0x87: {  	s0 =	sand.u32 $0x1, s21  }
0x88: {  	s0 =	smul.u32 $0xF0, s0  }
0x89: {  	p3 =	sne.s32 s30, $0xFFFFFFFF  }
0x8a: {  	v1 =	vld.msk @!p3 [tilespmem:s0+$0x10518], $0x1;
	_ =	sdelay $0x4  }
0x8b: {  	(v2sf) =	vpush @!p3 v1, $0x0;
	_ =	sdelay $0xc  }
.Ltmp7:
0x8c: {  	_ = 	snop;
	(pc) =	sbr.rel @p2 .LBB2_19-.Ltmp7, $4  }
0x8d: {  	_ = 	snop  }
0x8e: {  	s29 =	spop @!p3 (v2sf)  }
0x8f: {  	s22 =	simm.s32 @!p3 $0x0;
	s24 =	smov.u32 s29  }
0x90: {  	[sflag:s18] =	ssyncpa.u1 $0x0;
	s29 =	smov.u32 @p3 s28;
	s24 =	smov.u32 @p3 s30  }
0x91: {  	v1 =	vld.msk [tilespmem:s23+$0x0], $0x1;
	_ =	sdelay $0x4  }
0x92: {  	(v2sf) =	vpush v1, $0x0;
	_ =	sdelay $0xe  }
0x93: {  	s2 =	smul.u32 $0x1E000, s25;
	s0 =	spop (v2sf)  }
0x94: {  	s26 =	ssub.s32 $0x0, s26;
	p2 =	seq.s32 s29, s0  }
0x95: {  	s30 =	sadd.s32 $0x1, s26;
	s2 =	sshrl.u32 s2, $0x2;
	p3 =	sgt.s32 @!p2 s29, $0x0  }
0x96: {  	s25 =	sor.u32 $0x10738, s2;
	s2 =	smov.u32 s29;
	p3 =	por !p3, p2  }
0x97: {  	s2 =	simm.s32 @p3 $0x0;
	p3 =	seq.s32 s30, $0x0  }
.Ltmp8:
0x98: {  	_ = 	snop;
	(pc) =	sbr.rel @p3 .LBB2_11-.Ltmp8, $4  }
0x99: {  	_ = 	snop  }
0x9a: {  	s28 =	simm.s32 $0x0;
	s31 =	sadd.s32 $0x1, s23;
	s2 =	smin.u32 @!p2 s2, $0xF0  }
0x9b: {  	s4 =	simm.s32 @!p2 $0x1;
	s5 =	simm.s32 @!p2 $0x7988;
	s3 =	sand.u32 @!p2 $0xF8, s2  }
0x9c: {  	s4 =	smov.u32 @p2 s28;
	s2 =	sand.u32 @!p2 $0x7, s2;
	s3 =	sadd.s32 @!p2 s1, s3  }
.LBB2_10:
0x9d: {  	s6 =	smov.u32 s4  }
0x9e: {  	[tilespmem:s5], [sflag:$0x2] =	stream.linear.gather @!p2 [hbm4b:s3+s2], $0x80, $0x38;
	[tilespmem:$0x1F6F8] =	vst v63  }
0x9f: {  	s30 =	sadd.s32 $0x1, s30;
	s2 =	smov.u32 s0;
	v1 =	vld.msk [tilespmem:s31+$0x0], $0x1  }
0xa0: {  	p3 =	seq.s32 s30, $0x0;
	_ =	sdelay $0x3  }
0xa1: {  	(v2sf) =	vpush v1, $0x0;
	_ =	sdelay $0xe  }
0xa2: {  	s0 =	spop (v2sf)  }
0xa3: {  	p2 =	seq.s32 s2, s0  }
0xa4: {  	p4 =	sgt.s32 @!p2 s2, $0x0;
	s3 =	sshll.u32 @!p2 s4, $0x9;
	s4 =	sadd.s32 @!p2 $0x1, s4  }
.Ltmp9:
0xa5: {  	p4 =	por !p4, p2;
	s3 =	sshra.s32 @!p2 s3, $0x2;
	(pc) =	sbr.rel @!p3 .LBB2_10-.Ltmp9, $4  }
0xa6: {  	s4 =	smov.u32 @p2 s6;
	s2 =	simm.s32 @p4 $0x0;
	s5 =	sadd.s32 @!p2 $0x7988, s3  }
0xa7: {  	s2 =	smin.u32 @!p2 s2, $0xF0  }
0xa8: {  	s3 =	sand.u32 @!p2 $0xF8, s2;
	s2 =	sand.u32 @!p2 $0x7, s2  }
0xa9: {  	s31 =	sadd.s32 $0x1, s31;
	s3 =	sadd.s32 @!p2 s1, s3  }
.LBB2_11:
0xaa: {  	[tilespmem:s5], [sflag:$0x2] =	stream.linear.gather @!p2 [hbm4b:s3+s2], $0x80, $0x38;
	[tilespmem:$0x1F6F8] =	vst v63  }
.Ltmp10:
0xab: {  	s0 =	sshll.u32 s4, $0x7;
	(pc) =	sbr.rel .LBB2_12-.Ltmp10, $4  }
0xac: {  	s30 =	simm.s32 $0x2;
	s0 =	sand.u32 $0x3FFFFF80, s0  }
0xad: {  	_ =	swait.ge [sflag:s30], s0  }
0xae: {  	s0 =	ssub.s32 $0x0, s0;
	[sflag:s30] =	ssyncset.done $0x0  }
0xaf: {  	s31 =	simm.s32 $0x0;
	[sflag:s30] =	ssyncadd.s32 s0  }
.LBB2_13:
0xb0: {  	v1 =	vld [tilespmem:s25+$0xFFFFFFC0];
	_ =	sdelay $0x3  }
0xb1: {  	s0 =	sshra.s32 s0, $0x2  }
0xb2: {  	[tilespmem:s0+$0x108] =	vst.add.f32.msk $0xffff, v1  }
0xb3: {  	v1 =	vld [tilespmem:s25+$0xFFFFFFD0];
	_ =	sdelay $0x4  }
0xb4: {  	[tilespmem:s0+$0x118] =	vst.add.f32.msk $0xffff, v1  }
0xb5: {  	v1 =	vld [tilespmem:s25+$0xFFFFFFE0];
	_ =	sdelay $0x4  }
0xb6: {  	[tilespmem:s0+$0x128] =	vst.add.f32.msk $0xffff, v1  }
0xb7: {  	v1 =	vld [tilespmem:s25+$0xFFFFFFF0];
	_ =	sdelay $0x4  }
0xb8: {  	[tilespmem:s0+$0x138] =	vst.add.f32.msk $0xffff, v1  }
0xb9: {  	v1 =	vld [tilespmem:s25+$0x0];
	_ =	sdelay $0x4  }
0xba: {  	[tilespmem:s0+$0x148] =	vst.add.f32.msk $0xffff, v1  }
0xbb: {  	v1 =	vld [tilespmem:s25+$0x10];
	_ =	sdelay $0x4  }
0xbc: {  	[tilespmem:s0+$0x158] =	vst.add.f32.msk $0xffff, v1  }
0xbd: {  	v1 =	vld [tilespmem:s25+$0x20];
	_ =	sdelay $0x4  }
0xbe: {  	[tilespmem:s0+$0x168] =	vst.add.f32.msk $0xffff, v1  }
0xbf: {  	v1 =	vld [tilespmem:s25+$0x30];
	_ =	sdelay $0x4  }
0xc0: {  	[tilespmem:s0+$0x178] =	vst.add.f32.msk $0xffff, v1  }
.LBB2_17:
0xc1: {  	s26 =	sadd.s32 $0x1, s26  }
0xc2: {  	p2 =	seq.s32 s26, $0x0  }
.Ltmp11:
0xc3: {  	_ = 	snop;
	(pc) =	sbr.rel @p2 .LBB2_18-.Ltmp11, $2  }
0xc4: {  	_ =	sdelay $0x2  }
0xc5: {  	s23 =	sadd.s32 $0x1, s23;
	s25 =	sadd.s32 $0x80, s25;
	s29 =	smov.u32 s30  }
.LBB2_12:
0xc6: {  	v1 =	vld.msk [tilespmem:s23+$0x0], $0x1;
	_ =	sdelay $0x4  }
0xc7: {  	(v2sf) =	vpush v1, $0x0;
	_ =	sdelay $0xe  }
0xc8: {  	s30 =	spop (v2sf)  }
0xc9: {  	p2 =	sne.s32 s29, s30  }
.Ltmp12:
0xca: {  	_ = 	snop;
	(pc) =	sbr.rel @!p2 .LBB2_13-.Ltmp12, $2  }
0xcb: {  	_ =	sdelay $0x2  }
0xcc: {  	s0 =	sshll.u32 s22, $0x9  }
0xcd: {  	p2 =	seq.s32 s29, s24  }
.Ltmp13:
0xce: {  	_ = 	snop;
	(pc) =	sbr.rel @!p2 .LBB2_15-.Ltmp13, $1  }
0xcf: {  	_ =	sdelay $0x3  }
0xd0: {  	s0 =	sshra.s32 s0, $0x2  }
.Ltmp14:
0xd1: {  	s0 =	sadd.s32 $0x108, s0;
	(pc) =	sbr.rel .LBB2_16-.Ltmp14, $4  }
0xd2: {  	[spmem:s16] =	stream.linear.scatter [tilespmem:s0], [sflag:$0x1], $0x80, $0x38;
	[tilespmem:$0x1F6F8] =	vst v63  }
0xd3: {  	_ =	swait.ge [sflag:s12], $0x80  }
0xd4: {  	[sflag:s12] =	ssyncset.done $0x0  }
0xd5: {  	[sflag:s12] =	ssyncadd.s32 $0xFFFFFF80  }
.LBB2_15:
0xd6: {  	s2 =	sshll.u32 s28, $0x9  }
0xd7: {  	s2 =	sshra.s32 s2, $0x2  }
0xd8: {  	v1 =	vld [tilespmem:s2+$0x7988];
	_ =	sdelay $0x3  }
0xd9: {  	s0 =	sshra.s32 s0, $0x2  }
0xda: {  	[tilespmem:s0+$0x108] =	vst.add.f32.msk $0xffff, v1  }
0xdb: {  	v1 =	vld [tilespmem:s2+$0x7998];
	_ =	sdelay $0x4  }
0xdc: {  	[tilespmem:s0+$0x118] =	vst.add.f32.msk $0xffff, v1  }
0xdd: {  	v1 =	vld [tilespmem:s2+$0x79A8];
	_ =	sdelay $0x4  }
0xde: {  	[tilespmem:s0+$0x128] =	vst.add.f32.msk $0xffff, v1  }
0xdf: {  	v1 =	vld [tilespmem:s2+$0x79B8];
	_ =	sdelay $0x4  }
0xe0: {  	[tilespmem:s0+$0x138] =	vst.add.f32.msk $0xffff, v1  }
0xe1: {  	v1 =	vld [tilespmem:s2+$0x79C8];
	_ =	sdelay $0x4  }
0xe2: {  	[tilespmem:s0+$0x148] =	vst.add.f32.msk $0xffff, v1  }
0xe3: {  	v1 =	vld [tilespmem:s2+$0x79D8];
	_ =	sdelay $0x4  }
0xe4: {  	[tilespmem:s0+$0x158] =	vst.add.f32.msk $0xffff, v1  }
0xe5: {  	v1 =	vld [tilespmem:s2+$0x79E8];
	_ =	sdelay $0x4  }
0xe6: {  	[tilespmem:s0+$0x168] =	vst.add.f32.msk $0xffff, v1  }
0xe7: {  	v1 =	vld [tilespmem:s2+$0x79F8];
	_ =	sdelay $0x2  }
0xe8: {  	p2 =	sgt.u32 s29, $0xF0  }
0xe9: {  	s2 =	sand.u32 @!p2 $0xF8, s29  }
0xea: {  	s3 =	sadd.s32 $0x108, s0;
	[tilespmem:s0+$0x178] =	vst.add.f32.msk $0xffff, v1;
	s0 =	sadd.s32 @!p2 s1, s2;
	s2 =	sand.u32 @!p2 $0x7, s29  }
0xeb: {  	[hbm4b:s0+s2] =	stream.linear.scatter @!p2 [tilespmem:s3], [sflag:$0xC], $0x80, $0x38;
	[tilespmem:$0x1F6F8] =	vst v63  }
0xec: {  	s0 =	simm.s32 $0x0  }
0xed: {  	s0 =	simm.s32 @!p2 $0x200  }
0xee: {  	s31 =	sadd.s32 s0, s31  }
.LBB2_16:
0xef: {  	s0 =	sadd.s32 $0x1, s22  }
0xf0: {  	s2 =	smulhi.u32 $0x88888889, s0;
	_ =	sdelay $0x1  }
0xf1: {  	v1 =	vld [tilespmem:s25+$0xFFFFFFC0];
	s2 =	sshrl.u32 s2, $0x7  }
0xf2: {  	s2 =	smul.u32 $0xF0, s2;
	_ =	sdelay $0x1  }
0xf3: {  	s22 =	ssub.s32 s0, s2  }
0xf4: {  	s0 =	sshll.u32 s22, $0x7  }
0xf5: {  	[tilespmem:s0+$0x108] =	vst v1  }
0xf6: {  	v1 =	vld [tilespmem:s25+$0xFFFFFFD0];
	_ =	sdelay $0x4  }
0xf7: {  	[tilespmem:s0+$0x118] =	vst v1  }
0xf8: {  	v1 =	vld [tilespmem:s25+$0xFFFFFFE0];
	_ =	sdelay $0x4  }
0xf9: {  	[tilespmem:s0+$0x128] =	vst v1  }
0xfa: {  	v1 =	vld [tilespmem:s25+$0xFFFFFFF0];
	_ =	sdelay $0x4  }
0xfb: {  	[tilespmem:s0+$0x138] =	vst v1  }
0xfc: {  	v1 =	vld [tilespmem:s25+$0x0];
	_ =	sdelay $0x4  }
0xfd: {  	[tilespmem:s0+$0x148] =	vst v1  }
0xfe: {  	v1 =	vld [tilespmem:s25+$0x10];
	_ =	sdelay $0x4  }
0xff: {  	[tilespmem:s0+$0x158] =	vst v1  }
0x100: {  	v1 =	vld [tilespmem:s25+$0x20];
	_ =	sdelay $0x4  }
0x101: {  	[tilespmem:s0+$0x168] =	vst v1  }
0x102: {  	v1 =	vld [tilespmem:s25+$0x30]  }
.Ltmp15:
0x103: {  	_ = 	snop;
	(pc) =	sbr.rel .LBB2_17-.Ltmp15, $2  }
0x104: {  	_ =	sdelay $0x2  }
0x105: {  	s28 =	sadd.s32 $0x1, s28;
	[tilespmem:s0+$0x178] =	vst v1  }
.LBB2_19:
.Ltmp16:
0x106: {  	(pc) =	sbr.rel .LBB2_20-.Ltmp16, $4  }
0x107: {  	_ = 	snop  }
0x108: {  	s0 =	simm.s32 $0x2  }
0x109: {  	_ =	swait.ge [sflag:s0], $0x0  }
0x10a: {  	s30 =	smov.u32 s29;
	[sflag:s0] =	ssyncset.done $0x0;
	s0 =	simm.s32 $0x0  }
.LBB2_22:
0x10b: {  	_ =	sfence.sel $0x180000  }
0x10c: {  	s0 =	simm.s32 $0x9;
	[bflag:$0x0] =	sbarrier.arrive $0xFFFF  }
0x10d: {  	s24 =	simm.s32 $0xA;
	[sflag:s0] =	ssyncpa.u1 $0x1  }
0x10e: {  	s25 =	simm.s32 $0xB;
	[sflag:s24] =	ssyncpa.u1 $0x1  }
0x10f: {  	s26 =	simm.s32 $0x2;
	[sflag:s25] =	ssyncpa.u1 $0x1  }
0x110: {  	[sflag:s26] =	ssyncpa.u1 $0x1  }
0x111: {  	v0 =	vld [tilespmem:$0xF208];
	_ =	sdelay $0x4  }
0x112: {  	(v2sf) =	vpush v0, $0x0  }
0x113: {  	(v2sf) =	vpush v0, $0x1;
	_ =	sdelay $0x1  }
0x114: {  	(v2sf) =	vpush v0, $0x2;
	_ =	sdelay $0xb  }
0x115: {  	s0 =	spop (v2sf)  }
0x116: {  	s2 =	spop (v2sf)  }
0x117: {  	s3 =	smov.u32 s0;
	p1 =	sne.s32 s0, s2  }
0x118: {  	s4 =	spop (v2sf);
	s3 =	simm.s32 @!p1 $0xFFFFFFFF  }
0x119: {  	v2 =	vimm.s32 $0x1;
	v3 =	vlaneseq.u32;
	p1 =	seq.s32 s4, $0xFFFFFFFF;
	v1 =	vmov s3  }
0x11a: {  	s16 =	stileid.u32;
	v0 =	vperm.xlane v0, v2;
	p2 =	sne.s32 @!p1 s0, s2;
	v1 =	vperm.xlane v1, v3  }
0x11b: {  	vm0 =	vcmask $0x3F04;
	s6 =	simm.s32 $0xF208;
	s0 =	simm.s32 @!p1 $0x1;
	p2 =	por !p2, p1  }
0x11c: {  	s3 =	sshll.u32 s16, $0x1;
	s2 =	sshll.u32 @!p1 s4, $0x9;
	s0 =	simm.s32 @p2 $0x0;
	v0 =	vsel vm0, v1, v0  }
0x11d: {  	s5 =	sor.u32 $0x1000, s3;
	s2 =	sshra.s32 @!p1 s2, $0x2;
	s0 =	sor.u32 @!p1 s0, s3;
	[tilespmem:$0xF208] =	vst v0  }
0x11e: {  	[spmem:s5] =	stream.linear.scatter [tilespmem:s6], [sflag:$0x1], $0x2, $0x38;
	[tilespmem:$0x1F6F8] =	vst v63  }
0x11f: {  	s2 =	sadd.s32 @!p1 $0x108, s2;
	s0 =	sshll.u32 @!p1 s0, $0x7  }
0x120: {  	[spmem:s0] =	stream.linear.scatter @!p1 [tilespmem:s2], [sflag:$0x1], $0x80, $0x38;
	[tilespmem:$0x1F6F8] =	vst v63  }
0x121: {  	s0 =	simm.s32 @!p1 $0x82  }
0x122: {  	s28 =	simm.s32 $0x1;
	s0 =	simm.s32 @p1 $0x2  }
0x123: {  	_ =	swait.ge [sflag:s28], s0  }
0x124: {  	s0 =	ssub.s32 $0x0, s0;
	[sflag:s28] =	ssyncset.done $0x0  }
0x125: {  	[sflag:s28] =	ssyncadd.s32 s0  }
.Ltmp17:
0x126: {  	_ =	sfence.stream.spmem;
	(pc) =	sbr.rel @p0 .LBB2_39-.Ltmp17, $4  }
0x127: {  	s29 =	simm.s32 $0x3;
	[bflag:$0x0] =	sbarrier.arrive $0xFFFF  }
0x128: {  	s30 =	simm.s32 $0x4;
	[sflag:s29] =	ssyncpa.u1 $0x1  }
0x129: {  	s31 =	simm.s32 $0x3C;
	[sflag:s30] =	ssyncpa.u1 $0x1  }
0x12a: {  	s15 =	rddreg [dreg:$0x6];
	[sflag:s31] =	ssyncpa.u1 $0x1  }
0x12b: {  	_ =	sfence.stream.spmem;
	s0 =	simm.s32 $0x5  }
0x12c: {  	s2 =	simm.s32 $0x1000;
	s3 =	simm.s32 $0xF218;
	[sflag:s0] =	ssyncpa.u1 $0x0  }
0x12d: {  	[tilespmem:s3], [sflag:$0x5] =	stream.linear.gather [spmem:s2], $0x20, $0x38;
	[tilespmem:$0x1F6F8] =	vst v63  }
0x12e: {  	s26 =	simm.s32 $0x0;
	s28 =	simm.s32 $0xF238  }
0x12f: {  	[tilespmem:s28], [sflag:$0x5] =	stream.linear.gather [spmem:s26], $0x1000, $0x38;
	[tilespmem:$0x1F6F8] =	vst v63  }
0x130: {  	_ =	swait.ge [sflag:s0], $0x1020  }
0x131: {  	[sflag:s0] =	ssyncset.done $0x0  }
0x132: {  	s29 =	simm.s32 $0x0;
	[sflag:s0] =	ssyncadd.s32 $0xFFFFEFE0  }
0x133: {  	v0 =	vld.msk [tilespmem:s29+$0xF218], $0x1;
	_ =	sdelay $0x1  }
0x134: {  	s30 =	simm.s32 $0x1  }
0x135: {  	v1 =	vld.msk [tilespmem:s30+$0xF218], $0x1;
	_ =	sdelay $0x1  }
0x136: {  	(v2sf) =	vpush v0, $0x0;
	_ =	sdelay $0x2  }
0x137: {  	(v2sf) =	vpush v1, $0x0;
	_ =	sdelay $0x2  }
0x138: {  	s31 =	simm.s32 $0x2  }
0x139: {  	v0 =	vld.msk [tilespmem:s31+$0xF218], $0x1;
	_ =	sdelay $0x2  }
0x13a: {  	s4 =	simm.s32 $0xFFFFFFFF;
	s5 =	simm.s32 $0xFFFFFFFF;
	s0 =	simm.s32 $0xC  }
.LBB2_24:
0x13b: {  	s2 =	smov.u32 s5;
	s3 =	smov.u32 s4  }
0x13c: {  	s4 =	sshra.s32 s0, $0x2;
	p1 =	sne.s32 s0, $0x7C;
	s0 =	sadd.s32 $0x4, s0;
	(v2sf) =	vpush v0, $0x0  }
0x13d: {  	v0 =	vld.msk [tilespmem:s4+$0xF218], $0x1  }
.Ltmp18:
0x13e: {  	(pc) =	sbr.rel @p1 .LBB2_24-.Ltmp18, $4  }
0x13f: {  	s5 =	spop (v2sf)  }
0x140: {  	p2 =	sne.s32 s3, $0xFFFFFFFF;
	s4 =	smov.u32 s5  }
0x141: {  	p3 =	seq.s32 s5, $0xFFFFFFFF;
	s4 =	smov.u32 @p2 s3  }
0x142: {  	s5 =	smov.u32 @p3 s2;
	s4 =	smov.u32 @p3 s3  }
0x143: {  	(v2sf) =	vpush v0, $0x0;
	_ =	sdelay $0x8  }
0x144: {  	s0 =	spop (v2sf)  }
0x145: {  	p1 =	sne.s32 s4, $0xFFFFFFFF;
	s2 =	smov.u32 s0  }
0x146: {  	s9 =	simm.s32 $0x6;
	p2 =	seq.s32 s0, $0xFFFFFFFF;
	s2 =	smov.u32 @p1 s4  }
0x147: {  	s6 =	simm.s32 $0x0;
	s2 =	smov.u32 @p2 s4;
	s3 =	spop (v2sf)  }
0x148: {  	s0 =	smov.u32 @p2 s5;
	p1 =	sne.s32 s2, $0xFFFFFFFF;
	s4 =	smov.u32 s3  }
.Ltmp19:
0x149: {  	p2 =	seq.s32 s3, $0xFFFFFFFF;
	s4 =	smov.u32 @p1 s2;
	(pc) =	sbr.rel .LBB2_26-.Ltmp19, $4  }
0x14a: {  	s10 =	simm.s32 $0xF188;
	s4 =	smov.u32 @p2 s2;
	s7 =	spop (v2sf)  }
0x14b: {  	s11 =	simm.s32 $0x0;
	p1 =	sne.s32 s4, $0xFFFFFFFF;
	s8 =	smov.u32 s7  }
0x14c: {  	s3 =	smov.u32 @p2 s0;
	p2 =	seq.s32 s7, $0xFFFFFFFF;
	s8 =	smov.u32 @p1 s4  }
0x14d: {  	[sflag:s9] =	ssyncpa.u1 $0x0;
	s7 =	smov.u32 @p2 s3;
	s8 =	smov.u32 @p2 s4  }
.LBB2_32:
0x14e: {  	p1 =	sgt.u32 s12, $0xF0  }
0x14f: {  	p2 =	seq.s32 @!p1 s12, s8  }
0x150: {  	p1 =	por p1, p2  }
0x151: {  	p2 =	sne.s32 @!p1 s12, s7  }
0x152: {  	p1 =	por p1, !p2  }
0x153: {  	s0 =	sshll.u32 @p1 s11, $0x9  }
0x154: {  	s0 =	sand.u32 @!p1 $0xF8, s12  }
0x155: {  	s2 =	sand.u32 @!p1 $0x7, s12;
	s0 =	sadd.s32 @!p1 s1, s0  }
0x156: {  	[tilespmem:s10], [sflag:$0x6] =	stream.linear.gather @!p1 [hbm4b:s0+s2], $0x80, $0x38;
	[tilespmem:$0x1F6F8] =	vst v63  }
0x157: {  	_ =	swait.ge @!p1 [sflag:s9], $0x80  }
0x158: {  	[sflag:s9] =	ssyncset.done @!p1 $0x0  }
0x159: {  	[sflag:s9] =	ssyncadd.s32 @!p1 $0xFFFFFF80  }
0x15a: {  	v1 =	vld @!p1 [tilespmem:$0xF188];
	_ =	sdelay $0x2  }
0x15b: {  	s0 =	sshll.u32 @!p1 s11, $0x9  }
0x15c: {  	s2 =	sshrl.u32 @!p1 s0, $0x2  }
0x15d: {  	[tilespmem:s2+$0xF238] =	vst.add.f32.msk @!p1 $0xffff, v1  }
0x15e: {  	v1 =	vld @!p1 [tilespmem:$0xF198];
	_ =	sdelay $0x4  }
0x15f: {  	[tilespmem:s2+$0xF248] =	vst.add.f32.msk @!p1 $0xffff, v1  }
0x160: {  	v1 =	vld @!p1 [tilespmem:$0xF1A8];
	_ =	sdelay $0x4  }
0x161: {  	[tilespmem:s2+$0xF258] =	vst.add.f32.msk @!p1 $0xffff, v1  }
0x162: {  	v1 =	vld @!p1 [tilespmem:$0xF1B8];
	_ =	sdelay $0x4  }
0x163: {  	[tilespmem:s2+$0xF268] =	vst.add.f32.msk @!p1 $0xffff, v1  }
0x164: {  	v1 =	vld @!p1 [tilespmem:$0xF1C8];
	_ =	sdelay $0x4  }
0x165: {  	[tilespmem:s2+$0xF278] =	vst.add.f32.msk @!p1 $0xffff, v1  }
0x166: {  	v1 =	vld @!p1 [tilespmem:$0xF1D8];
	_ =	sdelay $0x4  }
0x167: {  	[tilespmem:s2+$0xF288] =	vst.add.f32.msk @!p1 $0xffff, v1  }
0x168: {  	v1 =	vld @!p1 [tilespmem:$0xF1E8];
	_ =	sdelay $0x4  }
0x169: {  	[tilespmem:s2+$0xF298] =	vst.add.f32.msk @!p1 $0xffff, v1  }
0x16a: {  	v1 =	vld @!p1 [tilespmem:$0xF1F8];
	_ =	sdelay $0x4  }
0x16b: {  	[tilespmem:s2+$0xF2A8] =	vst.add.f32.msk @!p1 $0xffff, v1  }
0x16c: {  	s0 =	sshrl.u32 s0, $0x2;
	[tilespmem:s6+$0xF218] =	vst.msk $0x1, v0  }
0x16d: {  	v0 =	vld [tilespmem:s0+$0xF238];
	_ =	sdelay $0x2  }
0x16e: {  	s31 =	sshll.u32 s6, $0x9  }
0x16f: {  	s2 =	sshra.s32 s31, $0x2  }
0x170: {  	[tilespmem:s2+$0xF238] =	vst v0  }
0x171: {  	v0 =	vld [tilespmem:s0+$0xF248];
	_ =	sdelay $0x4  }
0x172: {  	[tilespmem:s2+$0xF248] =	vst v0  }
0x173: {  	v0 =	vld [tilespmem:s0+$0xF258];
	_ =	sdelay $0x4  }
0x174: {  	[tilespmem:s2+$0xF258] =	vst v0  }
0x175: {  	v0 =	vld [tilespmem:s0+$0xF268];
	_ =	sdelay $0x4  }
0x176: {  	[tilespmem:s2+$0xF268] =	vst v0  }
0x177: {  	v0 =	vld [tilespmem:s0+$0xF278];
	_ =	sdelay $0x4  }
0x178: {  	[tilespmem:s2+$0xF278] =	vst v0  }
0x179: {  	v0 =	vld [tilespmem:s0+$0xF288];
	_ =	sdelay $0x4  }
0x17a: {  	[tilespmem:s2+$0xF288] =	vst v0  }
0x17b: {  	v0 =	vld [tilespmem:s0+$0xF298];
	_ =	sdelay $0x4  }
0x17c: {  	[tilespmem:s2+$0xF298] =	vst v0  }
0x17d: {  	v0 =	vld [tilespmem:s0+$0xF2A8];
	_ =	sdelay $0x4  }
0x17e: {  	s6 =	sadd.s32 $0x1, s6;
	[tilespmem:s2+$0xF2A8] =	vst v0  }
.LBB2_33:
0x17f: {  	s11 =	sadd.s32 $0x1, s11  }
0x180: {  	p1 =	sne.s32 s11, $0x20  }
.Ltmp20:
0x181: {  	_ = 	snop;
	(pc) =	sbr.rel @!p1 .LBB2_34-.Ltmp20, $1  }
0x182: {  	_ =	sdelay $0x3  }
.LBB2_26:
0x183: {  	v0 =	vld.msk [tilespmem:s11+$0xF218], $0x1;
	_ =	sdelay $0x4  }
0x184: {  	(v2sf) =	vpush v0, $0x0;
	_ =	sdelay $0xe  }
0x185: {  	s12 =	spop (v2sf)  }
0x186: {  	p1 =	seq.s32 s12, $0xFFFFFFFF  }
.Ltmp21:
0x187: {  	_ = 	snop;
	(pc) =	sbr.rel @p1 .LBB2_33-.Ltmp21, $1  }
0x188: {  	_ =	sdelay $0x3  }
0x189: {  	p1 =	slt.s32 s6, $0x1  }
.Ltmp22:
0x18a: {  	_ = 	snop;
	(pc) =	sbr.rel @p1 .LBB2_32-.Ltmp22, $1  }
0x18b: {  	_ =	sdelay $0x3  }
0x18c: {  	s13 =	simm.s32 $0xF218;
	p1 =	por $0x0, $0x0  }
0x18d: {  	v1 =	vld.msk @!p1 [tilespmem:s13+$0x0], $0x1;
	_ =	sdelay $0x4  }
0x18e: {  	(v2sf) =	vpush @!p1 v1, $0x0;
	_ =	sdelay $0xd  }
0x18f: {  	p3 =	sne.s32 s6, $0x1  }
.Ltmp23:
0x190: {  	s0 =	spop @!p1 (v2sf);
	(pc) =	sbr.rel @!p3 .LBB2_30-.Ltmp23, $4  }
0x191: {  	p2 =	seq.s32 @!p1 s12, s0  }
0x192: {  	s14 =	simm.s32 $0x0;
	p2 =	por !p2, p1  }
0x193: {  	s2 =	simm.s32 $0xFFFFFFFF;
	s14 =	simm.s32 @p2 $0xFFFFFFFF  }
0x194: {  	s0 =	simm.s32 $0x1;
	s14 =	smov.u32 @p1 s2  }
.LBB2_29:
0x195: {  	s2 =	smov.u32 s14;
	p1 =	sne.s32 s14, $0xFFFFFFFF  }
0x196: {  	s13 =	sadd.s32 $0x1, s13;
	s14 =	smov.u32 s0;
	s0 =	sadd.s32 $0x1, s0  }
0x197: {  	p2 =	sne.s32 s6, s0;
	v1 =	vld.msk @!p1 [tilespmem:s13+$0x0], $0x1;
	_ =	sdelay $0x4  }
0x198: {  	(v2sf) =	vpush @!p1 v1, $0x0;
	_ =	sdelay $0xe  }
.Ltmp24:
0x199: {  	s3 =	spop @!p1 (v2sf);
	(pc) =	sbr.rel @p2 .LBB2_29-.Ltmp24, $4  }
0x19a: {  	p3 =	seq.s32 @!p1 s12, s3  }
0x19b: {  	p3 =	por !p3, p1  }
0x19c: {  	s14 =	simm.s32 @p3 $0xFFFFFFFF  }
0x19d: {  	s14 =	smov.u32 @p1 s2  }
.LBB2_30:
0x19e: {  	p1 =	seq.s32 s14, $0xFFFFFFFF  }
.Ltmp25:
0x19f: {  	_ = 	snop;
	(pc) =	sbr.rel @p1 .LBB2_32-.Ltmp25, $1  }
0x1a0: {  	_ =	sdelay $0x3  }
0x1a1: {  	s0 =	sshll.u32 s11, $0x7  }
0x1a2: {  	s0 =	sand.u32 $0x3FFFFF80, s0  }
0x1a3: {  	v0 =	vld [tilespmem:s0+$0xF238];
	_ =	sdelay $0x2  }
0x1a4: {  	s2 =	sshll.u32 s14, $0x9  }
0x1a5: {  	s2 =	sshra.s32 s2, $0x2  }
0x1a6: {  	[tilespmem:s2+$0xF238] =	vst.add.f32.msk $0xffff, v0  }
0x1a7: {  	v0 =	vld [tilespmem:s0+$0xF248];
	_ =	sdelay $0x4  }
0x1a8: {  	[tilespmem:s2+$0xF248] =	vst.add.f32.msk $0xffff, v0  }
0x1a9: {  	v0 =	vld [tilespmem:s0+$0xF258];
	_ =	sdelay $0x4  }
0x1aa: {  	[tilespmem:s2+$0xF258] =	vst.add.f32.msk $0xffff, v0  }
0x1ab: {  	v0 =	vld [tilespmem:s0+$0xF268];
	_ =	sdelay $0x4  }
0x1ac: {  	[tilespmem:s2+$0xF268] =	vst.add.f32.msk $0xffff, v0  }
0x1ad: {  	v0 =	vld [tilespmem:s0+$0xF278];
	_ =	sdelay $0x4  }
0x1ae: {  	[tilespmem:s2+$0xF278] =	vst.add.f32.msk $0xffff, v0  }
0x1af: {  	v0 =	vld [tilespmem:s0+$0xF288];
	_ =	sdelay $0x4  }
0x1b0: {  	[tilespmem:s2+$0xF288] =	vst.add.f32.msk $0xffff, v0  }
0x1b1: {  	v0 =	vld [tilespmem:s0+$0xF298];
	_ =	sdelay $0x4  }
0x1b2: {  	[tilespmem:s2+$0xF298] =	vst.add.f32.msk $0xffff, v0  }
0x1b3: {  	v0 =	vld [tilespmem:s0+$0xF2A8]  }
.Ltmp26:
0x1b4: {  	_ = 	snop;
	(pc) =	sbr.rel .LBB2_33-.Ltmp26, $2  }
0x1b5: {  	_ =	sdelay $0x2  }
0x1b6: {  	[tilespmem:s2+$0xF2A8] =	vst.add.f32.msk $0xffff, v0  }
.LBB2_34:
0x1b7: {  	s0 =	simm.s32 $0x6;
	p1 =	seq.s32 s6, $0x0  }
0x1b8: {  	[sflag:s0] =	ssyncpa.u1 $0x1;
	v0 =	vimm.s32 @p1 $0xFFFFFFFF  }
0x1b9: {  	s9 =	sadd.s32 $0xFFFFFFFF, s6;
	[tilespmem:$0x10238] =	vst @p1 v0  }
0x1ba: {  	v0 =	vld.msk @!p1 [tilespmem:s9+$0xF218], $0x1;
	_ =	sdelay $0x1  }
0x1bb: {  	v1 =	vld.msk @!p1 [tilespmem:$0xF218], $0x1;
	_ =	sdelay $0x2  }
0x1bc: {  	p2 =	seq.s32 @!p1 s9, $0x0;
	v0 =	vbroadcast @!p1 v0, $0x0  }
0x1bd: {  	vm0 =	vmmov @!p1 $0x1;
	p2 =	por !p2, p1  }
0x1be: {  	v1 =	vnsel @!p1 vm0, $0xFFFFFFFF, v1;
	vm0 =	vcmask @!p1 $0x308;
	v0 =	vpsel !p2, $0xFFFFFFFF, v0  }
0x1bf: {  	p2 =	sne.s32 @!p1 s8, s7;
	v0 =	vsel @!p1 vm0, v1, v0  }
0x1c0: {  	s0 =	simm.s32 @!p1 $0xF238;
	s2 =	simm.s32 @!p1 $0x0;
	p3 =	por !p2, p1;
	[tilespmem:$0x10238] =	vst @!p1 v0  }
0x1c1: {  	[spmem:s2] =	stream.linear.scatter @!p1 [tilespmem:s0], [sflag:$0x1], $0x80, $0x38;
	[tilespmem:$0x1F6F8] =	vst v63  }
0x1c2: {  	s0 =	sshll.u32 @!p3 s9, $0x9  }
0x1c3: {  	s0 =	sshra.s32 @!p3 s0, $0x2  }
0x1c4: {  	s2 =	simm.s32 @!p3 $0x80;
	s0 =	sadd.s32 @!p3 $0xF238, s0  }
0x1c5: {  	[spmem:s2] =	stream.linear.scatter @!p3 [tilespmem:s0], [sflag:$0x1], $0x80, $0x38;
	[tilespmem:$0x1F6F8] =	vst v63  }
0x1c6: {  	s0 =	simm.s32 @!p3 $0x1  }
0x1c7: {  	_ =	swait.ge @!p3 [sflag:s0], $0x100  }
0x1c8: {  	p1 =	por p2, p1;
	[sflag:s0] =	ssyncset.done @!p3 $0x0  }
0x1c9: {  	[sflag:s0] =	ssyncadd.s32 @!p3 $0xFFFFFF00;
	s0 =	simm.s32 @!p1 $0x1  }
0x1ca: {  	_ =	swait.ge @!p1 [sflag:s0], $0x80  }
0x1cb: {  	s29 =	simm.s32 $0x10238;
	[sflag:s0] =	ssyncset.done @!p1 $0x0  }
0x1cc: {  	s30 =	simm.s32 $0x1000;
	s31 =	simm.s32 $0x1;
	[sflag:s0] =	ssyncadd.s32 @!p1 $0xFFFFFF80  }
0x1cd: {  	[spmem:s30] =	stream.linear.scatter [tilespmem:s29], [sflag:$0x1], $0x10, $0x38;
	[tilespmem:$0x1F6F8] =	vst v63  }
0x1ce: {  	_ =	swait.ge [sflag:s31], $0x10  }
0x1cf: {  	[sflag:s31] =	ssyncset.done $0x0  }
0x1d0: {  	p1 =	seq.s32 s15, $0x0;
	s8 =	rddreg [dreg:$0x3];
	[sflag:s31] =	ssyncadd.s32 $0xFFFFFFF0  }
0x1d1: {  	s2 =	sshll.u32 @p1 s8, $0xE;
	s7 =	rddreg [dreg:$0x4]  }
0x1d2: {  	s0 =	sadd.s32 @p1 $0x15C3C, s2;
	s2 =	sshll.u32 @p1 s7, $0x11  }
0x1d3: {  	_ =	sfence.stream.spmem;
	s0 =	sor.u32 @p1 s2, s0  }
0x1d4: {  	[sflag:s0] =	ssyncadd.remote.s32 @p1 $0x1;
	s0 =	simm.s32 @p1 $0x4  }
0x1d5: {  	s3 =	simm.s32 @!p1 $0x3C;
	s2 =	sand.u32 $0xFFFFFFFE, s8;
	_ =	swait.ge @p1 [sflag:s0], $0x22  }
0x1d6: {  	s4 =	simm.s32 @!p1 $0x0;
	s2 =	sadd.s32 @!p1 $0x4, s2;
	[sflag:s0] =	ssyncset.done @p1 $0x0  }
0x1d7: {  	s5 =	simm.s32 @!p1 $0x100;
	[sflag:s0] =	ssyncadd.s32 @p1 $0xFFFFFFDE;
	s0 =	sshll.u32 @!p1 s2, $0x1A  }
0x1d8: {  	s2 =	sshll.u32 @!p1 s2, $0xD;
	s0 =	sor.u32 @!p1 s0, s7;
	_ =	swait.eq @!p1 [sflag:s3], $0x1  }
0x1d9: {  	s2 =	sor.u32 @!p1 $0x1C04, s2;
	s3 =	simm.s32 @!p1 $0x1C03;
	s0 =	sor.u32 @!p1 $0x80004000, s0  }
0x1da: {  	[spmem:s5], [sflag:s2] =	dma.general @!p1 [spmem:s4], [sflag:s3], length:$0x20, [dreg:$0x0], stride_count:$0x0, ici_dest:s0, dma_misc:DstOpCode:WRITE  }
0x1db: {  	p2 =	slt.s32 s9, $0x2;
	s4 =	simm.s32 @!p1 $0x200;
	s5 =	simm.s32 @!p1 $0x202  }
0x1dc: {  	[spmem:s5], [sflag:s2] =	dma.general @!p1 [spmem:s4], [sflag:s3], length:$0x2, [dreg:$0x0], stride_count:$0x0, ici_dest:s0, dma_misc:DstOpCode:WRITE  }
.Ltmp27:
0x1dd: {  	s0 =	simm.s32 @!p1 $0x3;
	(pc) =	sbr.rel @p2 .LBB2_38-.Ltmp27, $4  }
0x1de: {  	s2 =	sshll.u32 @!p1 s8, $0xE;
	_ =	swait.ge @!p1 [sflag:s0], $0x22  }
0x1df: {  	s3 =	sshll.u32 @!p1 s7, $0x11;
	s2 =	sadd.s32 @!p1 $0x11C3C, s2;
	[sflag:s0] =	ssyncset.done @!p1 $0x0  }
0x1e0: {  	[sflag:s0] =	ssyncadd.s32 @!p1 $0xFFFFFFDE;
	s0 =	sor.u32 @!p1 s3, s2  }
0x1e1: {  	[sflag:s0] =	ssyncadd.remote.s32 @!p1 $0xFFFFFFFF;
	s0 =	simm.s32 $0x0  }
0x1e2: {  	s0 =	simm.s32 $0xF219  }
0x1e3: {  	v0 =	vld.msk [tilespmem:s0+$0x0], $0x1;
	_ =	sdelay $0x4  }
0x1e4: {  	(v2sf) =	vpush v0, $0x0;
	_ =	sdelay $0xb  }
0x1e5: {  	s31 =	sadd.s32 $0xFFFFFFFE, s6  }
0x1e6: {  	s0 =	sadd.s32 $0xFFFFFFFF, s31  }
0x1e7: {  	p2 =	sne.s32 s0, $0x0  }
.Ltmp28:
0x1e8: {  	s2 =	spop (v2sf);
	(pc) =	sbr.rel @!p2 .LBB2_37-.Ltmp28, $4  }
0x1e9: {  	s4 =	simm.s32 $0xF2B8;
	s7 =	simm.s32 $0x0;
	p1 =	sgt.u32 s2, $0xF0  }
0x1ea: {  	s5 =	simm.s32 $0x0;
	s6 =	simm.s32 $0xF21A;
	s3 =	sand.u32 @!p1 $0xF8, s2  }
0x1eb: {  	s2 =	sand.u32 @!p1 $0x7, s2;
	s7 =	simm.s32 @!p1 $0x200;
	s3 =	sadd.s32 @!p1 s1, s3  }
0x1ec: {  	[hbm4b:s3+s2] =	stream.linear.scatter @!p1 [tilespmem:s4], [sflag:$0x5], $0x80, $0x38;
	[tilespmem:$0x1F6F8] =	vst v63  }
.LBB2_36:
0x1ed: {  	v0 =	vld.msk [tilespmem:s6+$0x0], $0x1;
	s0 =	sadd.s32 $0xFFFFFFFF, s0;
	s5 =	sadd.s32 s5, s7  }
0x1ee: {  	p1 =	sne.s32 s0, $0x0;
	_ =	sdelay $0x3  }
0x1ef: {  	(v2sf) =	vpush v0, $0x0;
	_ =	sdelay $0xe  }
.Ltmp29:
0x1f0: {  	s2 =	spop (v2sf);
	(pc) =	sbr.rel @p1 .LBB2_36-.Ltmp29, $4  }
0x1f1: {  	s7 =	simm.s32 $0x0;
	p2 =	sgt.u32 s2, $0xF0  }
0x1f2: {  	s4 =	sadd.s32 $0x80, s4;
	s7 =	simm.s32 @!p2 $0x200;
	s3 =	sand.u32 @!p2 $0xF8, s2  }
0x1f3: {  	s6 =	sadd.s32 $0x1, s6;
	s2 =	sand.u32 @!p2 $0x7, s2;
	s3 =	sadd.s32 @!p2 s1, s3  }
0x1f4: {  	[hbm4b:s3+s2] =	stream.linear.scatter @!p2 [tilespmem:s4], [sflag:$0x5], $0x80, $0x38;
	[tilespmem:$0x1F6F8] =	vst v63  }
.LBB2_37:
0x1f5: {  	s0 =	sadd.s32 s5, s7  }
0x1f6: {  	s0 =	sshrl.u32 s0, $0x2  }
.LBB2_38:
0x1f7: {  	s2 =	simm.s32 $0x5  }
0x1f8: {  	_ =	swait.ge [sflag:s2], s0  }
0x1f9: {  	s31 =	ssub.s32 $0x0, s0;
	[sflag:s2] =	ssyncset.done $0x0  }
0x1fa: {  	[sflag:s2] =	ssyncadd.s32 s31  }
0x1fb: {  	[sflag:s2] =	ssyncpa.u1 $0x1  }
.LBB2_39:
0x1fc: {  	s0 =	sor.u32 s15, s16  }
0x1fd: {  	p1 =	sne.s32 s0, $0x0  }
.Ltmp30:
0x1fe: {  	_ = 	snop;
	(pc) =	sbr.rel @p1 .LBB2_54-.Ltmp30, $3  }
0x1ff: {  	_ =	sdelay $0x1  }
0x200: {  	[bflag:$0x0] =	sbarrier.arrive $0xFFFF  }
0x201: {  	_ =	sfence  }
0x202: {  	s0 =	simm.s32 $0x7  }
0x203: {  	s2 =	simm.s32 $0x1000;
	s3 =	simm.s32 $0xF218;
	[sflag:s0] =	ssyncpa.u1 $0x0  }
0x204: {  	[tilespmem:s3], [sflag:$0x7] =	stream.linear.gather [spmem:s2], $0x20, $0x38;
	[tilespmem:$0x1F6F8] =	vst v63  }
0x205: {  	s30 =	simm.s32 $0xF238;
	s2 =	simm.s32 $0x0  }
0x206: {  	[tilespmem:s30], [sflag:$0x7] =	stream.linear.gather [spmem:s2], $0x1000, $0x38;
	[tilespmem:$0x1F6F8] =	vst v63  }
.Ltmp31:
0x207: {  	_ = 	snop;
	(pc) =	sbr.rel .LBB2_41-.Ltmp31, $4  }
0x208: {  	_ =	swait.ge [sflag:s0], $0x1020  }
0x209: {  	[sflag:s0] =	ssyncset.done $0x0  }
0x20a: {  	s31 =	simm.s32 $0x8;
	[sflag:s0] =	ssyncadd.s32 $0xFFFFEFE0  }
0x20b: {  	s3 =	simm.s32 $0x0;
	[sflag:s31] =	ssyncpa.u1 $0x0  }
.LBB2_47:
0x20c: {  	p1 =	slt.u32 s4, $0xF1  }
0x20d: {  	s0 =	sand.u32 @p1 $0xF8, s4  }
0x20e: {  	s4 =	sand.u32 @p1 $0x7, s4;
	s5 =	simm.s32 @p1 $0xF188;
	s0 =	sadd.s32 @p1 s1, s0  }
0x20f: {  	[tilespmem:s5], [sflag:$0x8] =	stream.linear.gather @p1 [hbm4b:s0+s4], $0x80, $0x38;
	[tilespmem:$0x1F6F8] =	vst v63  }
0x210: {  	s0 =	simm.s32 @p1 $0x8  }
0x211: {  	_ =	swait.ge @p1 [sflag:s0], $0x80  }
0x212: {  	[sflag:s0] =	ssyncset.done @p1 $0x0  }
0x213: {  	[sflag:s0] =	ssyncadd.s32 @p1 $0xFFFFFF80  }
0x214: {  	v1 =	vld @p1 [tilespmem:$0xF188];
	_ =	sdelay $0x2  }
0x215: {  	s0 =	sshll.u32 @p1 s3, $0x9  }
0x216: {  	s4 =	sshrl.u32 @p1 s0, $0x2  }
0x217: {  	[tilespmem:s4+$0xF238] =	vst.add.f32.msk @p1 $0xffff, v1  }
0x218: {  	v1 =	vld @p1 [tilespmem:$0xF198];
	_ =	sdelay $0x4  }
0x219: {  	[tilespmem:s4+$0xF248] =	vst.add.f32.msk @p1 $0xffff, v1  }
0x21a: {  	v1 =	vld @p1 [tilespmem:$0xF1A8];
	_ =	sdelay $0x4  }
0x21b: {  	[tilespmem:s4+$0xF258] =	vst.add.f32.msk @p1 $0xffff, v1  }
0x21c: {  	v1 =	vld @p1 [tilespmem:$0xF1B8];
	_ =	sdelay $0x4  }
0x21d: {  	[tilespmem:s4+$0xF268] =	vst.add.f32.msk @p1 $0xffff, v1  }
0x21e: {  	v1 =	vld @p1 [tilespmem:$0xF1C8];
	_ =	sdelay $0x4  }
0x21f: {  	[tilespmem:s4+$0xF278] =	vst.add.f32.msk @p1 $0xffff, v1  }
0x220: {  	v1 =	vld @p1 [tilespmem:$0xF1D8];
	_ =	sdelay $0x4  }
0x221: {  	[tilespmem:s4+$0xF288] =	vst.add.f32.msk @p1 $0xffff, v1  }
0x222: {  	v1 =	vld @p1 [tilespmem:$0xF1E8];
	_ =	sdelay $0x4  }
0x223: {  	[tilespmem:s4+$0xF298] =	vst.add.f32.msk @p1 $0xffff, v1  }
0x224: {  	v1 =	vld @p1 [tilespmem:$0xF1F8];
	_ =	sdelay $0x3  }
0x225: {  	s5 =	sshll.u32 @!p1 s3, $0x9  }
0x226: {  	s5 =	smov.u32 @p1 s0;
	[tilespmem:s4+$0xF2A8] =	vst.add.f32.msk @p1 $0xffff, v1  }
0x227: {  	s0 =	sshrl.u32 s5, $0x2;
	[tilespmem:s2+$0xF218] =	vst.msk $0x1, v0  }
0x228: {  	v0 =	vld [tilespmem:s0+$0xF238];
	_ =	sdelay $0x2  }
0x229: {  	s31 =	sshll.u32 s2, $0x9  }
0x22a: {  	s4 =	sshra.s32 s31, $0x2  }
0x22b: {  	[tilespmem:s4+$0xF238] =	vst v0  }
0x22c: {  	v0 =	vld [tilespmem:s0+$0xF248];
	_ =	sdelay $0x4  }
0x22d: {  	[tilespmem:s4+$0xF248] =	vst v0  }
0x22e: {  	v0 =	vld [tilespmem:s0+$0xF258];
	_ =	sdelay $0x4  }
0x22f: {  	[tilespmem:s4+$0xF258] =	vst v0  }
0x230: {  	v0 =	vld [tilespmem:s0+$0xF268];
	_ =	sdelay $0x4  }
0x231: {  	[tilespmem:s4+$0xF268] =	vst v0  }
0x232: {  	v0 =	vld [tilespmem:s0+$0xF278];
	_ =	sdelay $0x4  }
0x233: {  	[tilespmem:s4+$0xF278] =	vst v0  }
0x234: {  	v0 =	vld [tilespmem:s0+$0xF288];
	_ =	sdelay $0x4  }
0x235: {  	[tilespmem:s4+$0xF288] =	vst v0  }
0x236: {  	v0 =	vld [tilespmem:s0+$0xF298];
	_ =	sdelay $0x4  }
0x237: {  	[tilespmem:s4+$0xF298] =	vst v0  }
0x238: {  	v0 =	vld [tilespmem:s0+$0xF2A8];
	_ =	sdelay $0x4  }
0x239: {  	s2 =	sadd.s32 $0x1, s2;
	[tilespmem:s4+$0xF2A8] =	vst v0  }
.LBB2_48:
0x23a: {  	s3 =	sadd.s32 $0x1, s3  }
0x23b: {  	p1 =	sne.s32 s3, $0x20  }
.Ltmp32:
0x23c: {  	_ = 	snop;
	(pc) =	sbr.rel @!p1 .LBB2_49-.Ltmp32, $1  }
0x23d: {  	_ =	sdelay $0x3  }
.LBB2_41:
0x23e: {  	v0 =	vld.msk [tilespmem:s3+$0xF218], $0x1;
	_ =	sdelay $0x4  }
0x23f: {  	(v2sf) =	vpush v0, $0x0;
	_ =	sdelay $0xe  }
0x240: {  	s4 =	spop (v2sf)  }
0x241: {  	p1 =	seq.s32 s4, $0xFFFFFFFF  }
.Ltmp33:
0x242: {  	_ = 	snop;
	(pc) =	sbr.rel @p1 .LBB2_48-.Ltmp33, $1  }
0x243: {  	_ =	sdelay $0x3  }
0x244: {  	p1 =	slt.s32 s2, $0x1  }
.Ltmp34:
0x245: {  	_ = 	snop;
	(pc) =	sbr.rel @p1 .LBB2_47-.Ltmp34, $1  }
0x246: {  	_ =	sdelay $0x3  }
0x247: {  	s5 =	simm.s32 $0xF218;
	p1 =	por $0x0, $0x0  }
0x248: {  	v1 =	vld.msk @!p1 [tilespmem:s5+$0x0], $0x1;
	_ =	sdelay $0x4  }
0x249: {  	(v2sf) =	vpush @!p1 v1, $0x0;
	_ =	sdelay $0xd  }
0x24a: {  	p3 =	sne.s32 s2, $0x1  }
.Ltmp35:
0x24b: {  	s0 =	spop @!p1 (v2sf);
	(pc) =	sbr.rel @!p3 .LBB2_45-.Ltmp35, $4  }
0x24c: {  	p2 =	seq.s32 @!p1 s4, s0  }
0x24d: {  	s6 =	simm.s32 $0x0;
	p2 =	por !p2, p1  }
0x24e: {  	s7 =	simm.s32 $0xFFFFFFFF;
	s6 =	simm.s32 @p2 $0xFFFFFFFF  }
0x24f: {  	s0 =	simm.s32 $0x1;
	s6 =	smov.u32 @p1 s7  }
.LBB2_44:
0x250: {  	s7 =	smov.u32 s6;
	p1 =	sne.s32 s6, $0xFFFFFFFF  }
0x251: {  	s5 =	sadd.s32 $0x1, s5;
	s6 =	smov.u32 s0;
	s0 =	sadd.s32 $0x1, s0  }
0x252: {  	p2 =	sne.s32 s2, s0;
	v1 =	vld.msk @!p1 [tilespmem:s5+$0x0], $0x1;
	_ =	sdelay $0x4  }
0x253: {  	(v2sf) =	vpush @!p1 v1, $0x0;
	_ =	sdelay $0xe  }
.Ltmp36:
0x254: {  	s8 =	spop @!p1 (v2sf);
	(pc) =	sbr.rel @p2 .LBB2_44-.Ltmp36, $4  }
0x255: {  	p3 =	seq.s32 @!p1 s4, s8  }
0x256: {  	p3 =	por !p3, p1  }
0x257: {  	s6 =	simm.s32 @p3 $0xFFFFFFFF  }
0x258: {  	s6 =	smov.u32 @p1 s7  }
.LBB2_45:
0x259: {  	p1 =	seq.s32 s6, $0xFFFFFFFF  }
.Ltmp37:
0x25a: {  	_ = 	snop;
	(pc) =	sbr.rel @p1 .LBB2_47-.Ltmp37, $1  }
0x25b: {  	_ =	sdelay $0x3  }
0x25c: {  	s0 =	sshll.u32 s3, $0x7  }
0x25d: {  	s0 =	sand.u32 $0x3FFFFF80, s0  }
0x25e: {  	v0 =	vld [tilespmem:s0+$0xF238];
	_ =	sdelay $0x2  }
0x25f: {  	s4 =	sshll.u32 s6, $0x9  }
0x260: {  	s4 =	sshra.s32 s4, $0x2  }
0x261: {  	[tilespmem:s4+$0xF238] =	vst.add.f32.msk $0xffff, v0  }
0x262: {  	v0 =	vld [tilespmem:s0+$0xF248];
	_ =	sdelay $0x4  }
0x263: {  	[tilespmem:s4+$0xF248] =	vst.add.f32.msk $0xffff, v0  }
0x264: {  	v0 =	vld [tilespmem:s0+$0xF258];
	_ =	sdelay $0x4  }
0x265: {  	[tilespmem:s4+$0xF258] =	vst.add.f32.msk $0xffff, v0  }
0x266: {  	v0 =	vld [tilespmem:s0+$0xF268];
	_ =	sdelay $0x4  }
0x267: {  	[tilespmem:s4+$0xF268] =	vst.add.f32.msk $0xffff, v0  }
0x268: {  	v0 =	vld [tilespmem:s0+$0xF278];
	_ =	sdelay $0x4  }
0x269: {  	[tilespmem:s4+$0xF278] =	vst.add.f32.msk $0xffff, v0  }
0x26a: {  	v0 =	vld [tilespmem:s0+$0xF288];
	_ =	sdelay $0x4  }
0x26b: {  	[tilespmem:s4+$0xF288] =	vst.add.f32.msk $0xffff, v0  }
0x26c: {  	v0 =	vld [tilespmem:s0+$0xF298];
	_ =	sdelay $0x4  }
0x26d: {  	[tilespmem:s4+$0xF298] =	vst.add.f32.msk $0xffff, v0  }
0x26e: {  	v0 =	vld [tilespmem:s0+$0xF2A8]  }
.Ltmp38:
0x26f: {  	_ = 	snop;
	(pc) =	sbr.rel .LBB2_48-.Ltmp38, $2  }
0x270: {  	_ =	sdelay $0x2  }
0x271: {  	[tilespmem:s4+$0xF2A8] =	vst.add.f32.msk $0xffff, v0  }
.LBB2_49:
0x272: {  	p1 =	slt.s32 s2, $0x1  }
.Ltmp39:
0x273: {  	_ = 	snop;
	(pc) =	sbr.rel @p1 .LBB2_53-.Ltmp39, $3  }
0x274: {  	_ =	sdelay $0x1  }
0x275: {  	s0 =	simm.s32 $0x8  }
0x276: {  	s3 =	simm.s32 $0x0;
	[sflag:s0] =	ssyncpa.u1 $0x1  }
0x277: {  	s0 =	simm.s32 $0xF218  }
0x278: {  	v0 =	vld.msk [tilespmem:s0+$0x0], $0x1;
	_ =	sdelay $0x4  }
0x279: {  	(v2sf) =	vpush v0, $0x0;
	_ =	sdelay $0xe  }
0x27a: {  	s0 =	sadd.s32 $0xFFFFFFFF, s2;
	s5 =	spop (v2sf)  }
0x27b: {  	p2 =	sne.s32 s0, $0x0;
	p1 =	sgt.u32 s5, $0xF0  }
.Ltmp40:
0x27c: {  	s6 =	sand.u32 @!p1 $0xF8, s5;
	(pc) =	sbr.rel @!p2 .LBB2_52-.Ltmp40, $4  }
0x27d: {  	s4 =	simm.s32 $0xF238;
	s5 =	sand.u32 @!p1 $0x7, s5;
	s2 =	sadd.s32 @!p1 s1, s6  }
0x27e: {  	[hbm4b:s2+s5] =	stream.linear.scatter @!p1 [tilespmem:s4], [sflag:$0x7], $0x80, $0x38;
	[tilespmem:$0x1F6F8] =	vst v63  }
0x27f: {  	s5 =	simm.s32 $0x0  }
0x280: {  	s2 =	simm.s32 $0xF219;
	s5 =	simm.s32 @!p1 $0x200  }
.LBB2_51:
0x281: {  	v0 =	vld.msk [tilespmem:s2+$0x0], $0x1;
	s0 =	sadd.s32 $0xFFFFFFFF, s0;
	s3 =	sadd.s32 s3, s5  }
0x282: {  	p1 =	sne.s32 s0, $0x0;
	_ =	sdelay $0x3  }
0x283: {  	(v2sf) =	vpush v0, $0x0;
	_ =	sdelay $0xe  }
.Ltmp41:
0x284: {  	s6 =	spop (v2sf);
	(pc) =	sbr.rel @p1 .LBB2_51-.Ltmp41, $4  }
0x285: {  	s5 =	simm.s32 $0x0;
	p2 =	sgt.u32 s6, $0xF0  }
0x286: {  	s4 =	sadd.s32 $0x80, s4;
	s5 =	simm.s32 @!p2 $0x200;
	s7 =	sand.u32 @!p2 $0xF8, s6  }
0x287: {  	s2 =	sadd.s32 $0x1, s2;
	s6 =	sand.u32 @!p2 $0x7, s6;
	s7 =	sadd.s32 @!p2 s1, s7  }
0x288: {  	[hbm4b:s7+s6] =	stream.linear.scatter @!p2 [tilespmem:s4], [sflag:$0x7], $0x80, $0x38;
	[tilespmem:$0x1F6F8] =	vst v63  }
.LBB2_52:
0x289: {  	s0 =	sadd.s32 s3, s5  }
0x28a: {  	s3 =	sshrl.u32 s0, $0x2  }
.LBB2_53:
0x28b: {  	s0 =	simm.s32 $0x7  }
0x28c: {  	_ =	swait.ge [sflag:s0], s3  }
0x28d: {  	s1 =	ssub.s32 $0x0, s3;
	[sflag:s0] =	ssyncset.done $0x0  }
0x28e: {  	[sflag:s0] =	ssyncadd.s32 s1  }
0x28f: {  	[sflag:s0] =	ssyncpa.u1 $0x1  }
.LBB2_54:
0x290: {  	_ =	sfence;
	s0 =	simm.s32 $0x1  }
0x291: {  	[sflag:s0] =	ssyncpa.u1 $0x1  }
0x292: {  	_ =	strace $0x90000047  }
0x293: {  	[bflag:$0x2] =	sbarrier.arrive $0xFFFF  }
0x294: {  	s0 =	rddreg [dreg:$0x5]  }
0x295: {  	s0 =	sadd.s32 @!p0 $0x100000, s0  }
0x296: {  	[sflag:s0] =	ssyncadd.tile.s32 @!p0 $0x1;
	_ =	shalt  }
.Lfunc_end2:
_tile_overlayer_lowered:
.L_overlay_start_2:
0x297: {  	(tag) =	ssettag $0x2  }
0x298: {  	s0 =	rddreg [dreg:$0x0];
	s2 =	stileid.u32  }
0x299: {  	s1 =	rddreg [dreg:$0x1];
	p0 =	sne.s32 s2, $0x0  }
0x29a: {  	s3 =	rddreg [dreg:$0x2];
	[bflag:$0x3] =	sbarrier.arrive $0xFFFF;
	s2 =	simm.s32 @!p0 $0x1C01  }
0x29b: {  	[timem:s3], [sflag:s2] =	dma.local @!p0 [hbm:s0], s1  }
0x29c: {  	s0 =	simm.s32 @!p0 $0x1  }
0x29d: {  	_ =	swait.ge @!p0 [sflag:s0], s1  }
0x29e: {  	s1 =	ssub.s32 @!p0 $0x0, s1;
	[sflag:s0] =	ssyncset.done @!p0 $0x0  }
0x29f: {  	[sflag:s0] =	ssyncadd.s32 @!p0 s1  }
0x2a0: {  	[bflag:$0x3] =	sbarrier.arrive $0xFFFF  }
0x2a1: {  	_ =	shalt  }

</sc_bundles>
